<compile_context>
chip_gen: v7x
topology: tpu7x:2x2x1
jax: 0.10.2.dev20260603
libtpu: 0.0.44.dev20260713+nightly
codegen_flags: <defaults>
</compile_context>

<pallas_src>
import functools

import jax
import jax.numpy as jnp
from jax import lax
from jax.experimental import pallas as pl
from jax.experimental.pallas import tpu as pltpu
from jax.experimental.pallas import tpu_sc as plsc

N_NODES = 100000
IN_CH = 10
HIDDEN = 16

NC = 2
NS = 16
NW = NC * NS
LANE = 128
K = 6
G = 262
EDGES_PAD = NW * G * K * LANE
NROWS = NW * G * K
ROWS_PER_TILE = 6400
N_PAD = NS * ROWS_PER_TILE
TRASH = N_NODES
OCHUNK = 640


def _sc_segment_sum(e3d, x_pad):
    mesh = plsc.VectorSubcoreMesh(core_axis_name="c", subcore_axis_name="s")

    @functools.partial(
        pl.kernel,
        out_type=jax.ShapeDtypeStruct((NC, N_PAD, HIDDEN), jnp.float32),
        mesh=mesh,
        compiler_params=pltpu.CompilerParams(use_tc_tiling_on_sc=False),
        scratch_types=[
            pltpu.VMEM_SHARED((N_PAD, HIDDEN), jnp.float32),
            pltpu.VMEM((K, LANE), jnp.int32),
            pltpu.VMEM((K, LANE), jnp.int32),
            pltpu.VMEM((K, LANE), jnp.int32),
            pltpu.VMEM((K, LANE), jnp.int32),
            pltpu.VMEM((K * LANE, HIDDEN), jnp.float32),
            pltpu.VMEM((K * LANE, HIDDEN), jnp.float32),
            pltpu.SemaphoreType.DMA((2,)),
            pltpu.SemaphoreType.DMA((2,)),
            pltpu.SemaphoreType.DMA((2,)),
        ],
    )
    def kern(e_hbm, x_hbm, out_hbm,
             acc, src0, src1, dst0, dst1, rows0, rows1, isem, gsem, ssem):
        cid = lax.axis_index("c")
        sid = lax.axis_index("s")
        wid = cid * NS + sid

        srcb = [src0, src1]
        dstb = [dst0, dst1]
        rowsb = [rows0, rows1]

        zero16 = jnp.zeros((HIDDEN,), jnp.float32)

        @pl.loop(0, LANE)
        def _(i):
            rows0[i, :] = zero16

        zbase = sid * ROWS_PER_TILE

        @pl.loop(0, ROWS_PER_TILE // LANE)
        def _(b):
            pltpu.sync_copy(rows0.at[pl.ds(0, LANE), :],
                            acc.at[pl.ds(zbase + b * LANE, LANE), :])

        plsc.subcore_barrier()

        row0 = wid * (G * K)

        def idx_start(h, b):
            r = row0 + h * K
            pltpu.async_copy(e_hbm.at[pl.ds(r, K)], srcb[b], isem.at[b])
            pltpu.async_copy(e_hbm.at[pl.ds(NROWS + r, K)], dstb[b],
                             isem.at[b])

        def idx_wait(b):
            pltpu.make_async_copy(e_hbm.at[pl.ds(0, K)], srcb[b],
                                  isem.at[b]).wait()
            pltpu.make_async_copy(e_hbm.at[pl.ds(0, K)], dstb[b],
                                  isem.at[b]).wait()

        def gather_start(b):
            for j in range(K):
                pltpu.async_copy(x_hbm.at[srcb[b].at[j]],
                                 rowsb[b].at[pl.ds(j * LANE, LANE), :],
                                 gsem.at[b])

        def gather_wait(b):
            for j in range(K):
                pltpu.make_async_copy(x_hbm.at[srcb[b].at[j]],
                                      rowsb[b].at[pl.ds(j * LANE, LANE), :],
                                      gsem.at[b]).wait()

        def scatter_start(b):
            for j in range(K):
                pltpu.async_copy(rowsb[b].at[pl.ds(j * LANE, LANE), :],
                                 acc.at[dstb[b].at[j]], ssem.at[b], add=True)

        def scatter_wait(b):
            for j in range(K):
                pltpu.make_async_copy(rowsb[b].at[pl.ds(j * LANE, LANE), :],
                                      acc.at[dstb[b].at[j]],
                                      ssem.at[b]).wait()

        idx_start(0, 0)

        @pl.loop(0, G // 2)
        def _(p):
            g = 2 * p
            idx_wait(0)
            gather_start(0)

            @pl.when(p > 0)
            def _():
                scatter_wait(1)

            idx_start(g + 1, 1)
            gather_wait(0)
            scatter_start(0)

            idx_wait(1)
            gather_start(1)
            scatter_wait(0)

            @pl.when(p + 1 < G // 2)
            def _():
                idx_start(g + 2, 0)

            gather_wait(1)
            scatter_start(1)

        scatter_wait(1)

        plsc.subcore_barrier()

        @pl.loop(0, ROWS_PER_TILE // OCHUNK)
        def _(b):
            base = zbase + b * OCHUNK
            pltpu.sync_copy(acc.at[pl.ds(base, OCHUNK), :],
                            rows0.at[pl.ds(0, OCHUNK), :])
            pltpu.sync_copy(rows0.at[pl.ds(0, OCHUNK), :],
                            out_hbm.at[cid, pl.ds(base, OCHUNK), :])

    return kern(e3d, x_pad)


NPACK = 128 // HIDDEN
NROWS128 = N_PAD // NPACK
XB = 512


def _tc_pack_x(x):
    nblk = XB * NPACK

    def body(x_ref, o_ref):
        i = pl.program_id(0)
        xb = x_ref[...]
        node = i * nblk + lax.broadcasted_iota(jnp.int32, (nblk, 1), 0)
        valid = node < N_NODES
        packed = jnp.concatenate(
            [xb, jnp.ones((nblk, 1), jnp.float32),
             jnp.zeros((nblk, HIDDEN - IN_CH - 1), jnp.float32)], axis=1)
        packed = jnp.where(valid, packed, 0.0)
        o_ref[...] = jnp.concatenate(
            [packed[a * XB:(a + 1) * XB, :] for a in range(NPACK)], axis=1)

    return pl.pallas_call(
        body,
        grid=(NROWS128 // XB,),
        in_specs=[pl.BlockSpec((nblk, IN_CH), lambda i: (i, 0))],
        out_specs=pl.BlockSpec((XB, 128), lambda i: (i, 0)),
        out_shape=jax.ShapeDtypeStruct((NROWS128, 128), jnp.float32),
    )(x)


def _tc_combine(p128, x128, Wl128, Wr128, C128, b128):
    nb = NROWS128 // XB

    def body(p_ref, x_ref, wl_ref, wr_ref, c_ref, b_ref, o_ref):
        s = p_ref[0] + p_ref[1]
        cnt = jnp.maximum(
            jnp.dot(s, c_ref[...], preferred_element_type=jnp.float32), 1.0)
        agg = jnp.dot(s, wl_ref[...], preferred_element_type=jnp.float32) / cnt
        o = (
            agg
            + jnp.dot(x_ref[...], wr_ref[...],
                      preferred_element_type=jnp.float32)
            + b_ref[...]
        )
        o_ref[...] = jnp.concatenate(
            [o[:, HIDDEN * a:HIDDEN * (a + 1)] for a in range(NPACK)], axis=0)

    return pl.pallas_call(
        body,
        grid=(nb,),
        in_specs=[
            pl.BlockSpec((NC, XB, 128), lambda i: (0, i, 0)),
            pl.BlockSpec((XB, 128), lambda i: (i, 0)),
            pl.BlockSpec((128, 128), lambda i: (0, 0)),
            pl.BlockSpec((128, 128), lambda i: (0, 0)),
            pl.BlockSpec((128, 128), lambda i: (0, 0)),
            pl.BlockSpec((1, 128), lambda i: (0, 0)),
        ],
        out_specs=pl.BlockSpec((XB * NPACK, HIDDEN), lambda i: (i, 0)),
        out_shape=jax.ShapeDtypeStruct((N_NODES, HIDDEN), jnp.float32),
    )(p128, x128, Wl128, Wr128, C128, b128)


@jax.jit
def kernel(x, edge_index, W_l, W_r, b_l):
    idx = edge_index.astype(jnp.int32)
    n_edges = idx.shape[1]
    pad = EDGES_PAD - n_edges
    trash_rows = TRASH + jnp.arange(pad, dtype=jnp.int32) % (N_PAD - TRASH)
    e_pad = jnp.concatenate(
        [idx, jnp.broadcast_to(trash_rows, (2, pad))], axis=1)
    e_pad = ((e_pad & ~(XB * NPACK - 1))
             + ((e_pad & (XB - 1)) << 3)
             + ((e_pad & (XB * NPACK - 1)) >> 9))
    e3d = lax.optimization_barrier(
        e_pad.reshape(2, NROWS, LANE)).reshape(2 * NROWS, LANE)

    x128 = _tc_pack_x(x)
    partials = _sc_segment_sum(e3d, x128.reshape(N_PAD, HIDDEN))
    p128 = partials.reshape(NC, NROWS128, 128)

    eye8 = jnp.eye(NPACK, dtype=jnp.float32)
    Wl_pad = jnp.zeros((HIDDEN, HIDDEN), jnp.float32).at[:IN_CH].set(W_l)
    Wr_pad = jnp.zeros((HIDDEN, HIDDEN), jnp.float32).at[:IN_CH].set(W_r)
    Ci = jnp.zeros((HIDDEN, HIDDEN), jnp.float32).at[IN_CH].set(1.0)
    Wl128 = jnp.kron(eye8, Wl_pad)
    Wr128 = jnp.kron(eye8, Wr_pad)
    C128 = jnp.kron(eye8, Ci)
    b128 = jnp.tile(b_l, NPACK).reshape(1, 128)

    return _tc_combine(p128, x128, Wl128, Wr128, C128, b128)

# --- scband reference (transcript-rebuilt; emitter-appended) ---
"""Pipeline reference for scband-extractor-39032662786373 (READ-ONLY COPY).

The authoritative reference and input builder live on the scoring server;
editing this copy changes nothing except your own understanding.
"""

import jax, jax.numpy as jnp
import numpy as np

HIDDEN_NEURONS = 16
IN_CH = 10
N_NODES = 100000
N_EDGES = 6400000


def setup_inputs(seed: int = 0) -> dict:
    key = jax.random.key(seed)
    k1, k2, k3, k4, k5 = jax.random.split(key, 5)
    x = jax.random.normal(k1, (N_NODES, IN_CH), dtype=jnp.float32)
    edge_index = jax.random.randint(k2, (2, N_EDGES), 0, N_NODES, dtype=jnp.int64)
    # SAGEConv params: lin_l applied to mean-aggregated neighbor features (has bias),
    # lin_r applied to root/self features (no bias), per PyG SAGEConv defaults.
    scale = 1.0 / np.sqrt(IN_CH)
    W_l = jax.random.uniform(k3, (IN_CH, HIDDEN_NEURONS), dtype=jnp.float32, minval=-scale, maxval=scale)
    W_r = jax.random.uniform(k4, (IN_CH, HIDDEN_NEURONS), dtype=jnp.float32, minval=-scale, maxval=scale)
    b_l = jax.random.uniform(k5, (HIDDEN_NEURONS,), dtype=jnp.float32, minval=-scale, maxval=scale)
    return {"x": x, "edge_index": edge_index, "W_l": W_l, "W_r": W_r, "b_l": b_l}


def reference(x, edge_index, W_l, W_r, b_l):
    # SAGEConv with mean aggregation:
    #   out[i] = W_l^T * mean_{j in N(i)} x[j] + b_l + W_r^T * x[i]
    src = edge_index[0]
    dst = edge_index[1]
    n = x.shape[0]
    msgs = jnp.take(x, src, axis=0)                              # gather [E, IN_CH]
    summed = jax.ops.segment_sum(msgs, dst, num_segments=n)      # scatter-add [N, IN_CH]
    counts = jax.ops.segment_sum(jnp.ones((msgs.shape[0],), dtype=x.dtype), dst, num_segments=n)
    mean_agg = summed / jnp.clip(counts, 1.0)[:, None]
    out = mean_agg @ W_l + b_l + x @ W_r
    return out

if __name__ == "__main__":
    import jax
    _d = setup_inputs()
    print(jax.jit(kernel)(*tuple(_d.values())))

</pallas_src>

<mosaic_0001>
#map = affine_map<(d0, d1) -> (0, 0)>
#map1 = affine_map<(d0, d1) -> (0, 0, 0)>
module attributes {stable_mosaic.version = 14 : i64} {
  func.func @kern(%arg0: i32, %arg1: i32, %arg2: memref<100608x128xi32, #tpu.memory_space<hbm>>, %arg3: memref<102400x16xf32, #tpu.memory_space<hbm>>, %arg4: memref<2x102400x16xf32, #tpu.memory_space<hbm>>, %arg5: memref<102400x16xf32, #tpu.memory_space<vmem_shared>>, %arg6: memref<6x128xi32, #tpu.memory_space<vmem>>, %arg7: memref<6x128xi32, #tpu.memory_space<vmem>>, %arg8: memref<6x128xi32, #tpu.memory_space<vmem>>, %arg9: memref<6x128xi32, #tpu.memory_space<vmem>>, %arg10: memref<768x16xf32, #tpu.memory_space<vmem>>, %arg11: memref<768x16xf32, #tpu.memory_space<vmem>>, %arg12: memref<2x!tpu.dma_semaphore, #tpu.memory_space<semaphore_mem>>, %arg13: memref<2x!tpu.dma_semaphore, #tpu.memory_space<semaphore_mem>>, %arg14: memref<2x!tpu.dma_semaphore, #tpu.memory_space<semaphore_mem>>) attributes {dimension_semantics = [#tpu.dimension_semantics<core_parallel>, #tpu.dimension_semantics<subcore_parallel>], iteration_bounds = array<i64: 2, 16>, scalar_prefetch = 0 : i64, scratch_operands = 10 : i64, tpu.core_type = #tpu.core_type<sc_vector_subcore>, window_params = [{transform_indices = #map}, {transform_indices = #map}, {transform_indices = #map1}]} {
    %mul3A = arith.constant 16 : i32
    %mul3A_0 = arith.muli %arg0, %mul3A : i32
    %add3A = arith.addi %mul3A_0, %arg1 : i32
    %broadcast_in_dim3A = arith.constant 0.000000e+00 : f32
    %broadcast_in_dim3A_1 = vector.broadcast %broadcast_in_dim3A : f32 to vector<16xf32>
    %scan3A = arith.constant 0 : i32
    %scan3A_2 = arith.constant 128 : i32
    %scan3A_3 = arith.addi %scan3A, %scan3A_2 : i32
    %scan3A_4 = arith.constant 1 : i32
    scf.for %scan3A_120 = %scan3A to %scan3A_3 step %scan3A_4  : i32 {
      %mul3A_121 = arith.constant 1 : i32
      %mul3A_122 = arith.muli %scan3A_120, %mul3A_121 : i32
      %add3A_123 = arith.constant 0 : i32
      %add3A_124 = arith.addi %add3A_123, %mul3A_122 : i32
      %swap3A = arith.index_cast %add3A_124 : i32 to index
      %swap3A_125 = arith.constant 0 : index
      %swap3A_126 = tpu.vector_load %arg10[%swap3A, %swap3A_125] {strides = array<i32>} : memref<768x16xf32, #tpu.memory_space<vmem>>, vector<1x16xf32>,
      %swap3A_127 = vector.shape_cast %swap3A_126 : vector<1x16xf32> to vector<16xf32>
      %swap3A_128 = vector.shape_cast %broadcast_in_dim3A_1 : vector<16xf32> to vector<1x16xf32>
      tpu.vector_store %arg10[%swap3A, %swap3A_125], %swap3A_128 {strides = array<i32>} : memref<768x16xf32, #tpu.memory_space<vmem>>, vector<1x16xf32>,
    }
    %scan3A_5 = arith.constant 128 : i32
    %mul3A_6 = arith.constant 6400 : i32
    %mul3A_7 = arith.muli %arg1, %mul3A_6 : i32
    %scan3A_8 = arith.constant 0 : i32
    %scan3A_9 = arith.constant 50 : i32
    %scan3A_10 = arith.addi %scan3A_8, %scan3A_9 : i32
    %scan3A_11 = arith.constant 1 : i32
    scf.for %scan3A_120 = %scan3A_8 to %scan3A_10 step %scan3A_11  : i32 {
      %mul3A_121 = arith.constant 1 : i32
      %mul3A_122 = arith.muli %scan3A_120, %mul3A_121 : i32
      %add3A_123 = arith.constant 0 : i32
      %add3A_124 = arith.addi %add3A_123, %mul3A_122 : i32
      %mul3A_125 = arith.constant 128 : i32
      %mul3A_126 = arith.muli %add3A_124, %mul3A_125 : i32
      %add3A_127 = arith.addi %mul3A_7, %mul3A_126 : i32
      "tpu.region"() ({
        %run_scoped3A = tpu.sem_alloc : memref<!tpu.dma_semaphore, #tpu.memory_space<semaphore_mem>>
        %dma_start3A_128 = arith.constant 0 : i32
        %dma_start3A_129 = arith.constant 0 : i32
        %dma_start3A_130 = tpu.memref_slice %arg10[%dma_start3A_128, %dma_start3A_129] : memref<768x16xf32, #tpu.memory_space<vmem>> -> memref<128x16xf32, #tpu.memory_space<vmem>>
        %dma_start3A_131 = arith.constant 0 : i32
        %dma_start3A_132 = tpu.memref_slice %arg5[%add3A_127, %dma_start3A_131] : memref<102400x16xf32, #tpu.memory_space<vmem_shared>> -> memref<128x16xf32, #tpu.memory_space<vmem_shared>>
        %dma_start3A_133 = arith.constant 0 : i32
        %dma_start3A_134 = tpu.memref_slice %arg5[%add3A_127, %dma_start3A_133] : memref<102400x16xf32, #tpu.memory_space<vmem_shared>> -> memref<128x16xf32, #tpu.memory_space<vmem_shared>>
        %dma_start3A_135 = arith.constant 0 : i32
        %dma_start3A_136 = arith.constant 0 : i32
        %dma_start3A_137 = tpu.memref_slice %arg10[%dma_start3A_135, %dma_start3A_136] : memref<768x16xf32, #tpu.memory_space<vmem>> -> memref<128x16xf32, #tpu.memory_space<vmem>>
        tpu.enqueue_dma source(%dma_start3A_137 : memref<128x16xf32, #tpu.memory_space<vmem>>) target(%dma_start3A_134 : memref<128x16xf32, #tpu.memory_space<vmem_shared>>) target_semaphore(%run_scoped3A : memref<!tpu.dma_semaphore, #tpu.memory_space<semaphore_mem>>)
        %dma_wait3A_138 = arith.constant 0 : i32
        %dma_wait3A_139 = arith.constant 0 : i32
        %dma_wait3A_140 = tpu.memref_slice %arg10[%dma_wait3A_138, %dma_wait3A_139] : memref<768x16xf32, #tpu.memory_space<vmem>> -> memref<128x16xf32, #tpu.memory_space<vmem>>
        %dma_wait3A_141 = arith.constant 0 : i32
        %dma_wait3A_142 = tpu.memref_slice %arg5[%add3A_127, %dma_wait3A_141] : memref<102400x16xf32, #tpu.memory_space<vmem_shared>> -> memref<128x16xf32, #tpu.memory_space<vmem_shared>>
        %dma_wait3A_143 = arith.constant 0 : i32
        %dma_wait3A_144 = tpu.memref_slice %arg5[%add3A_127, %dma_wait3A_143] : memref<102400x16xf32, #tpu.memory_space<vmem_shared>> -> memref<128x16xf32, #tpu.memory_space<vmem_shared>>
        %dma_wait3A_145 = arith.constant 0 : i32
        %dma_wait3A_146 = arith.constant 0 : i32
        %dma_wait3A_147 = tpu.memref_slice %arg10[%dma_wait3A_145, %dma_wait3A_146] : memref<768x16xf32, #tpu.memory_space<vmem>> -> memref<128x16xf32, #tpu.memory_space<vmem>>
        tpu.wait_dma2 semaphore(%run_scoped3A : memref<!tpu.dma_semaphore, #tpu.memory_space<semaphore_mem>>) src(%dma_wait3A_147 : memref<128x16xf32, #tpu.memory_space<vmem>>) dst(%dma_wait3A_144 : memref<128x16xf32, #tpu.memory_space<vmem_shared>>)
        tpu.yield
      }) : () -> ()
    }
    %scan3A_12 = arith.constant 50 : i32
    %barrier3A = arith.constant 0 : index
    tpu.barrier barrier_id(%barrier3A)
    %mul3A_13 = arith.constant 1572 : i32
    %mul3A_14 = arith.muli %add3A, %mul3A_13 : i32
    %add3A_15 = arith.constant 0 : i32
    %add3A_16 = arith.addi %mul3A_14, %add3A_15 : i32
    %dma_start3A = arith.constant 0 : i32
    %dma_start3A_17 = arith.constant 0 : i32
    %dma_start3A_18 = tpu.memref_slice %arg2[%add3A_16, %dma_start3A_17] : memref<100608x128xi32, #tpu.memory_space<hbm>> -> memref<6x128xi32, #tpu.memory_space<hbm>>
    %dma_start3A_19 = tpu.memref_slice %arg12[%dma_start3A] : memref<2x!tpu.dma_semaphore, #tpu.memory_space<semaphore_mem>> -> memref<1x!tpu.dma_semaphore, #tpu.memory_space<semaphore_mem>>
    %dma_start3A_20 = tpu.memref_squeeze %dma_start3A_19 : memref<1x!tpu.dma_semaphore, #tpu.memory_space<semaphore_mem>> -> memref<!tpu.dma_semaphore, #tpu.memory_space<semaphore_mem>>
    %dma_start3A_21 = arith.constant 0 : i32
    %dma_start3A_22 = tpu.memref_slice %arg2[%add3A_16, %dma_start3A_21] : memref<100608x128xi32, #tpu.memory_space<hbm>> -> memref<6x128xi32, #tpu.memory_space<hbm>>
    tpu.enqueue_dma source(%dma_start3A_22 : memref<6x128xi32, #tpu.memory_space<hbm>>) target(%arg6 : memref<6x128xi32, #tpu.memory_space<vmem>>) target_semaphore(%dma_start3A_20 : memref<!tpu.dma_semaphore, #tpu.memory_space<semaphore_mem>>)
    %add3A_23 = arith.constant 50304 : i32
    %add3A_24 = arith.addi %add3A_23, %add3A_16 : i32
    %dma_start3A_25 = arith.constant 0 : i32
    %dma_start3A_26 = arith.constant 0 : i32
    %dma_start3A_27 = tpu.memref_slice %arg2[%add3A_24, %dma_start3A_26] : memref<100608x128xi32, #tpu.memory_space<hbm>> -> memref<6x128xi32, #tpu.memory_space<hbm>>
    %dma_start3A_28 = tpu.memref_slice %arg12[%dma_start3A_25] : memref<2x!tpu.dma_semaphore, #tpu.memory_space<semaphore_mem>> -> memref<1x!tpu.dma_semaphore, #tpu.memory_space<semaphore_mem>>
    %dma_start3A_29 = tpu.memref_squeeze %dma_start3A_28 : memref<1x!tpu.dma_semaphore, #tpu.memory_space<semaphore_mem>> -> memref<!tpu.dma_semaphore, #tpu.memory_space<semaphore_mem>>
    %dma_start3A_30 = arith.constant 0 : i32
    %dma_start3A_31 = tpu.memref_slice %arg2[%add3A_24, %dma_start3A_30] : memref<100608x128xi32, #tpu.memory_space<hbm>> -> memref<6x128xi32, #tpu.memory_space<hbm>>
    tpu.enqueue_dma source(%dma_start3A_31 : memref<6x128xi32, #tpu.memory_space<hbm>>) target(%arg8 : memref<6x128xi32, #tpu.memory_space<vmem>>) target_semaphore(%dma_start3A_29 : memref<!tpu.dma_semaphore, #tpu.memory_space<semaphore_mem>>)
    %scan3A_32 = arith.constant 0 : i32
    %scan3A_33 = arith.constant 131 : i32
    %scan3A_34 = arith.addi %scan3A_32, %scan3A_33 : i32
    %scan3A_35 = arith.constant 1 : i32
    scf.for %scan3A_120 = %scan3A_32 to %scan3A_34 step %scan3A_35  : i32 {
      %mul3A_121 = arith.constant 1 : i32
      %mul3A_122 = arith.muli %scan3A_120, %mul3A_121 : i32
      %add3A_123 = arith.constant 0 : i32
      %add3A_124 = arith.addi %add3A_123, %mul3A_122 : i32
      %mul3A_125 = arith.constant 2 : i32
      %mul3A_126 = arith.muli %mul3A_125, %add3A_124 : i32
      %dma_wait3A_127 = arith.constant 0 : i32
      %dma_wait3A_128 = arith.constant 0 : i32
      %dma_wait3A_129 = arith.constant 0 : i32
      %dma_wait3A_130 = tpu.memref_slice %arg2[%dma_wait3A_128, %dma_wait3A_129] : memref<100608x128xi32, #tpu.memory_space<hbm>> -> memref<6x128xi32, #tpu.memory_space<hbm>>
      %dma_wait3A_131 = tpu.memref_slice %arg12[%dma_wait3A_127] : memref<2x!tpu.dma_semaphore, #tpu.memory_space<semaphore_mem>> -> memref<1x!tpu.dma_semaphore, #tpu.memory_space<semaphore_mem>>
      %dma_wait3A_132 = tpu.memref_squeeze %dma_wait3A_131 : memref<1x!tpu.dma_semaphore, #tpu.memory_space<semaphore_mem>> -> memref<!tpu.dma_semaphore, #tpu.memory_space<semaphore_mem>>
      %dma_wait3A_133 = arith.constant 0 : i32
      %dma_wait3A_134 = arith.constant 0 : i32
      %dma_wait3A_135 = tpu.memref_slice %arg2[%dma_wait3A_133, %dma_wait3A_134] : memref<100608x128xi32, #tpu.memory_space<hbm>> -> memref<6x128xi32, #tpu.memory_space<hbm>>
      tpu.wait_dma2 semaphore(%dma_wait3A_132 : memref<!tpu.dma_semaphore, #tpu.memory_space<semaphore_mem>>) src(%dma_wait3A_135 : memref<6x128xi32, #tpu.memory_space<hbm>>) dst(%arg6 : memref<6x128xi32, #tpu.memory_space<vmem>>)
      %dma_wait3A_136 = arith.constant 0 : i32
      %dma_wait3A_137 = arith.constant 0 : i32
      %dma_wait3A_138 = arith.constant 0 : i32
      %dma_wait3A_139 = tpu.memref_slice %arg2[%dma_wait3A_137, %dma_wait3A_138] : memref<100608x128xi32, #tpu.memory_space<hbm>> -> memref<6x128xi32, #tpu.memory_space<hbm>>
      %dma_wait3A_140 = tpu.memref_slice %arg12[%dma_wait3A_136] : memref<2x!tpu.dma_semaphore, #tpu.memory_space<semaphore_mem>> -> memref<1x!tpu.dma_semaphore, #tpu.memory_space<semaphore_mem>>
      %dma_wait3A_141 = tpu.memref_squeeze %dma_wait3A_140 : memref<1x!tpu.dma_semaphore, #tpu.memory_space<semaphore_mem>> -> memref<!tpu.dma_semaphore, #tpu.memory_space<semaphore_mem>>
      %dma_wait3A_142 = arith.constant 0 : i32
      %dma_wait3A_143 = arith.constant 0 : i32
      %dma_wait3A_144 = tpu.memref_slice %arg2[%dma_wait3A_142, %dma_wait3A_143] : memref<100608x128xi32, #tpu.memory_space<hbm>> -> memref<6x128xi32, #tpu.memory_space<hbm>>
      tpu.wait_dma2 semaphore(%dma_wait3A_141 : memref<!tpu.dma_semaphore, #tpu.memory_space<semaphore_mem>>) src(%dma_wait3A_144 : memref<6x128xi32, #tpu.memory_space<hbm>>) dst(%arg8 : memref<6x128xi32, #tpu.memory_space<vmem>>)
      %dma_start3A_145 = arith.constant 0 : i32
      %dma_start3A_146 = arith.constant 0 : i32
      %dma_start3A_147 = arith.constant 0 : i32
      %dma_start3A_148 = arith.constant 0 : i32
      %dma_start3A_149 = tpu.memref_slice %arg10[%dma_start3A_147, %dma_start3A_148] : memref<768x16xf32, #tpu.memory_space<vmem>> -> memref<128x16xf32, #tpu.memory_space<vmem>>
      %dma_start3A_150 = arith.constant 0 : i32
      %dma_start3A_151 = tpu.memref_slice %arg6[%dma_start3A_145, %dma_start3A_150] : memref<6x128xi32, #tpu.memory_space<vmem>> -> memref<1x128xi32, #tpu.memory_space<vmem>>
      %dma_start3A_152 = tpu.memref_squeeze %dma_start3A_151 : memref<1x128xi32, #tpu.memory_space<vmem>> -> memref<128xi32, #tpu.memory_space<vmem>>
      %dma_start3A_153 = arith.constant 0 : i32
      %dma_start3A_154 = arith.constant 0 : i32
      %dma_start3A_155 = tpu.memref_slice %arg3[%dma_start3A_153, %dma_start3A_154] : memref<102400x16xf32, #tpu.memory_space<hbm>> -> memref<102400x16xf32, #tpu.memory_space<hbm>>
      %dma_start3A_156 = tpu.memref_slice %arg13[%dma_start3A_146] : memref<2x!tpu.dma_semaphore, #tpu.memory_space<semaphore_mem>> -> memref<1x!tpu.dma_semaphore, #tpu.memory_space<semaphore_mem>>
      %dma_start3A_157 = tpu.memref_squeeze %dma_start3A_156 : memref<1x!tpu.dma_semaphore, #tpu.memory_space<semaphore_mem>> -> memref<!tpu.dma_semaphore, #tpu.memory_space<semaphore_mem>>
      tpu.enqueue_indirect_dma source(%dma_start3A_155 : memref<102400x16xf32, #tpu.memory_space<hbm>>) target(%dma_start3A_149 : memref<128x16xf32, #tpu.memory_space<vmem>>) offsets(%dma_start3A_152 : memref<128xi32, #tpu.memory_space<vmem>>) semaphore(%dma_start3A_157 : memref<!tpu.dma_semaphore, #tpu.memory_space<semaphore_mem>>)
      %dma_start3A_158 = arith.constant 1 : i32
      %dma_start3A_159 = arith.constant 0 : i32
      %dma_start3A_160 = arith.constant 128 : i32
      %dma_start3A_161 = arith.constant 0 : i32
      %dma_start3A_162 = tpu.memref_slice %arg10[%dma_start3A_160, %dma_start3A_161] : memref<768x16xf32, #tpu.memory_space<vmem>> -> memref<128x16xf32, #tpu.memory_space<vmem>>
      %dma_start3A_163 = arith.constant 0 : i32
      %dma_start3A_164 = tpu.memref_slice %arg6[%dma_start3A_158, %dma_start3A_163] : memref<6x128xi32, #tpu.memory_space<vmem>> -> memref<1x128xi32, #tpu.memory_space<vmem>>
      %dma_start3A_165 = tpu.memref_squeeze %dma_start3A_164 : memref<1x128xi32, #tpu.memory_space<vmem>> -> memref<128xi32, #tpu.memory_space<vmem>>
      %dma_start3A_166 = arith.constant 0 : i32
      %dma_start3A_167 = arith.constant 0 : i32
      %dma_start3A_168 = tpu.memref_slice %arg3[%dma_start3A_166, %dma_start3A_167] : memref<102400x16xf32, #tpu.memory_space<hbm>> -> memref<102400x16xf32, #tpu.memory_space<hbm>>
      %dma_start3A_169 = tpu.memref_slice %arg13[%dma_start3A_159] : memref<2x!tpu.dma_semaphore, #tpu.memory_space<semaphore_mem>> -> memref<1x!tpu.dma_semaphore, #tpu.memory_space<semaphore_mem>>
      %dma_start3A_170 = tpu.memref_squeeze %dma_start3A_169 : memref<1x!tpu.dma_semaphore, #tpu.memory_space<semaphore_mem>> -> memref<!tpu.dma_semaphore, #tpu.memory_space<semaphore_mem>>
      tpu.enqueue_indirect_dma source(%dma_start3A_168 : memref<102400x16xf32, #tpu.memory_space<hbm>>) target(%dma_start3A_162 : memref<128x16xf32, #tpu.memory_space<vmem>>) offsets(%dma_start3A_165 : memref<128xi32, #tpu.memory_space<vmem>>) semaphore(%dma_start3A_170 : memref<!tpu.dma_semaphore, #tpu.memory_space<semaphore_mem>>)
      %dma_start3A_171 = arith.constant 2 : i32
      %dma_start3A_172 = arith.constant 0 : i32
      %dma_start3A_173 = arith.constant 256 : i32
      %dma_start3A_174 = arith.constant 0 : i32
      %dma_start3A_175 = tpu.memref_slice %arg10[%dma_start3A_173, %dma_start3A_174] : memref<768x16xf32, #tpu.memory_space<vmem>> -> memref<128x16xf32, #tpu.memory_space<vmem>>
      %dma_start3A_176 = arith.constant 0 : i32
      %dma_start3A_177 = tpu.memref_slice %arg6[%dma_start3A_171, %dma_start3A_176] : memref<6x128xi32, #tpu.memory_space<vmem>> -> memref<1x128xi32, #tpu.memory_space<vmem>>
      %dma_start3A_178 = tpu.memref_squeeze %dma_start3A_177 : memref<1x128xi32, #tpu.memory_space<vmem>> -> memref<128xi32, #tpu.memory_space<vmem>>
      %dma_start3A_179 = arith.constant 0 : i32
      %dma_start3A_180 = arith.constant 0 : i32
      %dma_start3A_181 = tpu.memref_slice %arg3[%dma_start3A_179, %dma_start3A_180] : memref<102400x16xf32, #tpu.memory_space<hbm>> -> memref<102400x16xf32, #tpu.memory_space<hbm>>
      %dma_start3A_182 = tpu.memref_slice %arg13[%dma_start3A_172] : memref<2x!tpu.dma_semaphore, #tpu.memory_space<semaphore_mem>> -> memref<1x!tpu.dma_semaphore, #tpu.memory_space<semaphore_mem>>
      %dma_start3A_183 = tpu.memref_squeeze %dma_start3A_182 : memref<1x!tpu.dma_semaphore, #tpu.memory_space<semaphore_mem>> -> memref<!tpu.dma_semaphore, #tpu.memory_space<semaphore_mem>>
      tpu.enqueue_indirect_dma source(%dma_start3A_181 : memref<102400x16xf32, #tpu.memory_space<hbm>>) target(%dma_start3A_175 : memref<128x16xf32, #tpu.memory_space<vmem>>) offsets(%dma_start3A_178 : memref<128xi32, #tpu.memory_space<vmem>>) semaphore(%dma_start3A_183 : memref<!tpu.dma_semaphore, #tpu.memory_space<semaphore_mem>>)
      %dma_start3A_184 = arith.constant 3 : i32
      %dma_start3A_185 = arith.constant 0 : i32
      %dma_start3A_186 = arith.constant 384 : i32
      %dma_start3A_187 = arith.constant 0 : i32
      %dma_start3A_188 = tpu.memref_slice %arg10[%dma_start3A_186, %dma_start3A_187] : memref<768x16xf32, #tpu.memory_space<vmem>> -> memref<128x16xf32, #tpu.memory_space<vmem>>
      %dma_start3A_189 = arith.constant 0 : i32
      %dma_start3A_190 = tpu.memref_slice %arg6[%dma_start3A_184, %dma_start3A_189] : memref<6x128xi32, #tpu.memory_space<vmem>> -> memref<1x128xi32, #tpu.memory_space<vmem>>
      %dma_start3A_191 = tpu.memref_squeeze %dma_start3A_190 : memref<1x128xi32, #tpu.memory_space<vmem>> -> memref<128xi32, #tpu.memory_space<vmem>>
      %dma_start3A_192 = arith.constant 0 : i32
      %dma_start3A_193 = arith.constant 0 : i32
      %dma_start3A_194 = tpu.memref_slice %arg3[%dma_start3A_192, %dma_start3A_193] : memref<102400x16xf32, #tpu.memory_space<hbm>> -> memref<102400x16xf32, #tpu.memory_space<hbm>>
      %dma_start3A_195 = tpu.memref_slice %arg13[%dma_start3A_185] : memref<2x!tpu.dma_semaphore, #tpu.memory_space<semaphore_mem>> -> memref<1x!tpu.dma_semaphore, #tpu.memory_space<semaphore_mem>>
      %dma_start3A_196 = tpu.memref_squeeze %dma_start3A_195 : memref<1x!tpu.dma_semaphore, #tpu.memory_space<semaphore_mem>> -> memref<!tpu.dma_semaphore, #tpu.memory_space<semaphore_mem>>
      tpu.enqueue_indirect_dma source(%dma_start3A_194 : memref<102400x16xf32, #tpu.memory_space<hbm>>) target(%dma_start3A_188 : memref<128x16xf32, #tpu.memory_space<vmem>>) offsets(%dma_start3A_191 : memref<128xi32, #tpu.memory_space<vmem>>) semaphore(%dma_start3A_196 : memref<!tpu.dma_semaphore, #tpu.memory_space<semaphore_mem>>)
      %dma_start3A_197 = arith.constant 4 : i32
      %dma_start3A_198 = arith.constant 0 : i32
      %dma_start3A_199 = arith.constant 512 : i32
      %dma_start3A_200 = arith.constant 0 : i32
      %dma_start3A_201 = tpu.memref_slice %arg10[%dma_start3A_199, %dma_start3A_200] : memref<768x16xf32, #tpu.memory_space<vmem>> -> memref<128x16xf32, #tpu.memory_space<vmem>>
      %dma_start3A_202 = arith.constant 0 : i32
      %dma_start3A_203 = tpu.memref_slice %arg6[%dma_start3A_197, %dma_start3A_202] : memref<6x128xi32, #tpu.memory_space<vmem>> -> memref<1x128xi32, #tpu.memory_space<vmem>>
      %dma_start3A_204 = tpu.memref_squeeze %dma_start3A_203 : memref<1x128xi32, #tpu.memory_space<vmem>> -> memref<128xi32, #tpu.memory_space<vmem>>
      %dma_start3A_205 = arith.constant 0 : i32
      %dma_start3A_206 = arith.constant 0 : i32
      %dma_start3A_207 = tpu.memref_slice %arg3[%dma_start3A_205, %dma_start3A_206] : memref<102400x16xf32, #tpu.memory_space<hbm>> -> memref<102400x16xf32, #tpu.memory_space<hbm>>
      %dma_start3A_208 = tpu.memref_slice %arg13[%dma_start3A_198] : memref<2x!tpu.dma_semaphore, #tpu.memory_space<semaphore_mem>> -> memref<1x!tpu.dma_semaphore, #tpu.memory_space<semaphore_mem>>
      %dma_start3A_209 = tpu.memref_squeeze %dma_start3A_208 : memref<1x!tpu.dma_semaphore, #tpu.memory_space<semaphore_mem>> -> memref<!tpu.dma_semaphore, #tpu.memory_space<semaphore_mem>>
      tpu.enqueue_indirect_dma source(%dma_start3A_207 : memref<102400x16xf32, #tpu.memory_space<hbm>>) target(%dma_start3A_201 : memref<128x16xf32, #tpu.memory_space<vmem>>) offsets(%dma_start3A_204 : memref<128xi32, #tpu.memory_space<vmem>>) semaphore(%dma_start3A_209 : memref<!tpu.dma_semaphore, #tpu.memory_space<semaphore_mem>>)
      %dma_start3A_210 = arith.constant 5 : i32
      %dma_start3A_211 = arith.constant 0 : i32
      %dma_start3A_212 = arith.constant 640 : i32
      %dma_start3A_213 = arith.constant 0 : i32
      %dma_start3A_214 = tpu.memref_slice %arg10[%dma_start3A_212, %dma_start3A_213] : memref<768x16xf32, #tpu.memory_space<vmem>> -> memref<128x16xf32, #tpu.memory_space<vmem>>
      %dma_start3A_215 = arith.constant 0 : i32
      %dma_start3A_216 = tpu.memref_slice %arg6[%dma_start3A_210, %dma_start3A_215] : memref<6x128xi32, #tpu.memory_space<vmem>> -> memref<1x128xi32, #tpu.memory_space<vmem>>
      %dma_start3A_217 = tpu.memref_squeeze %dma_start3A_216 : memref<1x128xi32, #tpu.memory_space<vmem>> -> memref<128xi32, #tpu.memory_space<vmem>>
      %dma_start3A_218 = arith.constant 0 : i32
      %dma_start3A_219 = arith.constant 0 : i32
      %dma_start3A_220 = tpu.memref_slice %arg3[%dma_start3A_218, %dma_start3A_219] : memref<102400x16xf32, #tpu.memory_space<hbm>> -> memref<102400x16xf32, #tpu.memory_space<hbm>>
      %dma_start3A_221 = tpu.memref_slice %arg13[%dma_start3A_211] : memref<2x!tpu.dma_semaphore, #tpu.memory_space<semaphore_mem>> -> memref<1x!tpu.dma_semaphore, #tpu.memory_space<semaphore_mem>>
      %dma_start3A_222 = tpu.memref_squeeze %dma_start3A_221 : memref<1x!tpu.dma_semaphore, #tpu.memory_space<semaphore_mem>> -> memref<!tpu.dma_semaphore, #tpu.memory_space<semaphore_mem>>
      tpu.enqueue_indirect_dma source(%dma_start3A_220 : memref<102400x16xf32, #tpu.memory_space<hbm>>) target(%dma_start3A_214 : memref<128x16xf32, #tpu.memory_space<vmem>>) offsets(%dma_start3A_217 : memref<128xi32, #tpu.memory_space<vmem>>) semaphore(%dma_start3A_222 : memref<!tpu.dma_semaphore, #tpu.memory_space<semaphore_mem>>)
      %gt3A = arith.constant 0 : i32
      %gt3A_223 = arith.cmpi sgt, %add3A_124, %gt3A : i32
      %convert_element_type3A = arith.extui %gt3A_223 : i1 to i32
      %cond3A = arith.constant 0 : i32
      %cond3A_224 = arith.cmpi ne, %convert_element_type3A, %cond3A : i32
      scf.if %cond3A_224 {
        %dma_wait3A_738 = arith.constant 0 : i32
        %dma_wait3A_739 = arith.constant 1 : i32
        %dma_wait3A_740 = arith.constant 0 : i32
        %dma_wait3A_741 = arith.constant 0 : i32
        %dma_wait3A_742 = tpu.memref_slice %arg11[%dma_wait3A_740, %dma_wait3A_741] : memref<768x16xf32, #tpu.memory_space<vmem>> -> memref<128x16xf32, #tpu.memory_space<vmem>>
        %dma_wait3A_743 = arith.constant 0 : i32
        %dma_wait3A_744 = tpu.memref_slice %arg9[%dma_wait3A_738, %dma_wait3A_743] : memref<6x128xi32, #tpu.memory_space<vmem>> -> memref<1x128xi32, #tpu.memory_space<vmem>>
        %dma_wait3A_745 = tpu.memref_squeeze %dma_wait3A_744 : memref<1x128xi32, #tpu.memory_space<vmem>> -> memref<128xi32, #tpu.memory_space<vmem>>
        %dma_wait3A_746 = arith.constant 0 : i32
        %dma_wait3A_747 = arith.constant 0 : i32
        %dma_wait3A_748 = tpu.memref_slice %arg5[%dma_wait3A_746, %dma_wait3A_747] : memref<102400x16xf32, #tpu.memory_space<vmem_shared>> -> memref<102400x16xf32, #tpu.memory_space<vmem_shared>>
        %dma_wait3A_749 = tpu.memref_slice %arg14[%dma_wait3A_739] : memref<2x!tpu.dma_semaphore, #tpu.memory_space<semaphore_mem>> -> memref<1x!tpu.dma_semaphore, #tpu.memory_space<semaphore_mem>>
        %dma_wait3A_750 = tpu.memref_squeeze %dma_wait3A_749 : memref<1x!tpu.dma_semaphore, #tpu.memory_space<semaphore_mem>> -> memref<!tpu.dma_semaphore, #tpu.memory_space<semaphore_mem>>
        tpu.wait_indirect_dma semaphore(%dma_wait3A_750 : memref<!tpu.dma_semaphore, #tpu.memory_space<semaphore_mem>>) src(%dma_wait3A_742 : memref<128x16xf32, #tpu.memory_space<vmem>>) dst(%dma_wait3A_748 : memref<102400x16xf32, #tpu.memory_space<vmem_shared>>)
        %dma_wait3A_751 = arith.constant 1 : i32
        %dma_wait3A_752 = arith.constant 1 : i32
        %dma_wait3A_753 = arith.constant 128 : i32
        %dma_wait3A_754 = arith.constant 0 : i32
        %dma_wait3A_755 = tpu.memref_slice %arg11[%dma_wait3A_753, %dma_wait3A_754] : memref<768x16xf32, #tpu.memory_space<vmem>> -> memref<128x16xf32, #tpu.memory_space<vmem>>
        %dma_wait3A_756 = arith.constant 0 : i32
        %dma_wait3A_757 = tpu.memref_slice %arg9[%dma_wait3A_751, %dma_wait3A_756] : memref<6x128xi32, #tpu.memory_space<vmem>> -> memref<1x128xi32, #tpu.memory_space<vmem>>
        %dma_wait3A_758 = tpu.memref_squeeze %dma_wait3A_757 : memref<1x128xi32, #tpu.memory_space<vmem>> -> memref<128xi32, #tpu.memory_space<vmem>>
        %dma_wait3A_759 = arith.constant 0 : i32
        %dma_wait3A_760 = arith.constant 0 : i32
        %dma_wait3A_761 = tpu.memref_slice %arg5[%dma_wait3A_759, %dma_wait3A_760] : memref<102400x16xf32, #tpu.memory_space<vmem_shared>> -> memref<102400x16xf32, #tpu.memory_space<vmem_shared>>
        %dma_wait3A_762 = tpu.memref_slice %arg14[%dma_wait3A_752] : memref<2x!tpu.dma_semaphore, #tpu.memory_space<semaphore_mem>> -> memref<1x!tpu.dma_semaphore, #tpu.memory_space<semaphore_mem>>
        %dma_wait3A_763 = tpu.memref_squeeze %dma_wait3A_762 : memref<1x!tpu.dma_semaphore, #tpu.memory_space<semaphore_mem>> -> memref<!tpu.dma_semaphore, #tpu.memory_space<semaphore_mem>>
        tpu.wait_indirect_dma semaphore(%dma_wait3A_763 : memref<!tpu.dma_semaphore, #tpu.memory_space<semaphore_mem>>) src(%dma_wait3A_755 : memref<128x16xf32, #tpu.memory_space<vmem>>) dst(%dma_wait3A_761 : memref<102400x16xf32, #tpu.memory_space<vmem_shared>>)
        %dma_wait3A_764 = arith.constant 2 : i32
        %dma_wait3A_765 = arith.constant 1 : i32
        %dma_wait3A_766 = arith.constant 256 : i32
        %dma_wait3A_767 = arith.constant 0 : i32
        %dma_wait3A_768 = tpu.memref_slice %arg11[%dma_wait3A_766, %dma_wait3A_767] : memref<768x16xf32, #tpu.memory_space<vmem>> -> memref<128x16xf32, #tpu.memory_space<vmem>>
        %dma_wait3A_769 = arith.constant 0 : i32
        %dma_wait3A_770 = tpu.memref_slice %arg9[%dma_wait3A_764, %dma_wait3A_769] : memref<6x128xi32, #tpu.memory_space<vmem>> -> memref<1x128xi32, #tpu.memory_space<vmem>>
        %dma_wait3A_771 = tpu.memref_squeeze %dma_wait3A_770 : memref<1x128xi32, #tpu.memory_space<vmem>> -> memref<128xi32, #tpu.memory_space<vmem>>
        %dma_wait3A_772 = arith.constant 0 : i32
        %dma_wait3A_773 = arith.constant 0 : i32
        %dma_wait3A_774 = tpu.memref_slice %arg5[%dma_wait3A_772, %dma_wait3A_773] : memref<102400x16xf32, #tpu.memory_space<vmem_shared>> -> memref<102400x16xf32, #tpu.memory_space<vmem_shared>>
        %dma_wait3A_775 = tpu.memref_slice %arg14[%dma_wait3A_765] : memref<2x!tpu.dma_semaphore, #tpu.memory_space<semaphore_mem>> -> memref<1x!tpu.dma_semaphore, #tpu.memory_space<semaphore_mem>>
        %dma_wait3A_776 = tpu.memref_squeeze %dma_wait3A_775 : memref<1x!tpu.dma_semaphore, #tpu.memory_space<semaphore_mem>> -> memref<!tpu.dma_semaphore, #tpu.memory_space<semaphore_mem>>
        tpu.wait_indirect_dma semaphore(%dma_wait3A_776 : memref<!tpu.dma_semaphore, #tpu.memory_space<semaphore_mem>>) src(%dma_wait3A_768 : memref<128x16xf32, #tpu.memory_space<vmem>>) dst(%dma_wait3A_774 : memref<102400x16xf32, #tpu.memory_space<vmem_shared>>)
        %dma_wait3A_777 = arith.constant 3 : i32
        %dma_wait3A_778 = arith.constant 1 : i32
        %dma_wait3A_779 = arith.constant 384 : i32
        %dma_wait3A_780 = arith.constant 0 : i32
        %dma_wait3A_781 = tpu.memref_slice %arg11[%dma_wait3A_779, %dma_wait3A_780] : memref<768x16xf32, #tpu.memory_space<vmem>> -> memref<128x16xf32, #tpu.memory_space<vmem>>
        %dma_wait3A_782 = arith.constant 0 : i32
        %dma_wait3A_783 = tpu.memref_slice %arg9[%dma_wait3A_777, %dma_wait3A_782] : memref<6x128xi32, #tpu.memory_space<vmem>> -> memref<1x128xi32, #tpu.memory_space<vmem>>
        %dma_wait3A_784 = tpu.memref_squeeze %dma_wait3A_783 : memref<1x128xi32, #tpu.memory_space<vmem>> -> memref<128xi32, #tpu.memory_space<vmem>>
        %dma_wait3A_785 = arith.constant 0 : i32
        %dma_wait3A_786 = arith.constant 0 : i32
        %dma_wait3A_787 = tpu.memref_slice %arg5[%dma_wait3A_785, %dma_wait3A_786] : memref<102400x16xf32, #tpu.memory_space<vmem_shared>> -> memref<102400x16xf32, #tpu.memory_space<vmem_shared>>
        %dma_wait3A_788 = tpu.memref_slice %arg14[%dma_wait3A_778] : memref<2x!tpu.dma_semaphore, #tpu.memory_space<semaphore_mem>> -> memref<1x!tpu.dma_semaphore, #tpu.memory_space<semaphore_mem>>
        %dma_wait3A_789 = tpu.memref_squeeze %dma_wait3A_788 : memref<1x!tpu.dma_semaphore, #tpu.memory_space<semaphore_mem>> -> memref<!tpu.dma_semaphore, #tpu.memory_space<semaphore_mem>>
        tpu.wait_indirect_dma semaphore(%dma_wait3A_789 : memref<!tpu.dma_semaphore, #tpu.memory_space<semaphore_mem>>) src(%dma_wait3A_781 : memref<128x16xf32, #tpu.memory_space<vmem>>) dst(%dma_wait3A_787 : memref<102400x16xf32, #tpu.memory_space<vmem_shared>>)
        %dma_wait3A_790 = arith.constant 4 : i32
        %dma_wait3A_791 = arith.constant 1 : i32
        %dma_wait3A_792 = arith.constant 512 : i32
        %dma_wait3A_793 = arith.constant 0 : i32
        %dma_wait3A_794 = tpu.memref_slice %arg11[%dma_wait3A_792, %dma_wait3A_793] : memref<768x16xf32, #tpu.memory_space<vmem>> -> memref<128x16xf32, #tpu.memory_space<vmem>>
        %dma_wait3A_795 = arith.constant 0 : i32
        %dma_wait3A_796 = tpu.memref_slice %arg9[%dma_wait3A_790, %dma_wait3A_795] : memref<6x128xi32, #tpu.memory_space<vmem>> -> memref<1x128xi32, #tpu.memory_space<vmem>>
        %dma_wait3A_797 = tpu.memref_squeeze %dma_wait3A_796 : memref<1x128xi32, #tpu.memory_space<vmem>> -> memref<128xi32, #tpu.memory_space<vmem>>
        %dma_wait3A_798 = arith.constant 0 : i32
        %dma_wait3A_799 = arith.constant 0 : i32
        %dma_wait3A_800 = tpu.memref_slice %arg5[%dma_wait3A_798, %dma_wait3A_799] : memref<102400x16xf32, #tpu.memory_space<vmem_shared>> -> memref<102400x16xf32, #tpu.memory_space<vmem_shared>>
        %dma_wait3A_801 = tpu.memref_slice %arg14[%dma_wait3A_791] : memref<2x!tpu.dma_semaphore, #tpu.memory_space<semaphore_mem>> -> memref<1x!tpu.dma_semaphore, #tpu.memory_space<semaphore_mem>>
        %dma_wait3A_802 = tpu.memref_squeeze %dma_wait3A_801 : memref<1x!tpu.dma_semaphore, #tpu.memory_space<semaphore_mem>> -> memref<!tpu.dma_semaphore, #tpu.memory_space<semaphore_mem>>
        tpu.wait_indirect_dma semaphore(%dma_wait3A_802 : memref<!tpu.dma_semaphore, #tpu.memory_space<semaphore_mem>>) src(%dma_wait3A_794 : memref<128x16xf32, #tpu.memory_space<vmem>>) dst(%dma_wait3A_800 : memref<102400x16xf32, #tpu.memory_space<vmem_shared>>)
        %dma_wait3A_803 = arith.constant 5 : i32
        %dma_wait3A_804 = arith.constant 1 : i32
        %dma_wait3A_805 = arith.constant 640 : i32
        %dma_wait3A_806 = arith.constant 0 : i32
        %dma_wait3A_807 = tpu.memref_slice %arg11[%dma_wait3A_805, %dma_wait3A_806] : memref<768x16xf32, #tpu.memory_space<vmem>> -> memref<128x16xf32, #tpu.memory_space<vmem>>
        %dma_wait3A_808 = arith.constant 0 : i32
        %dma_wait3A_809 = tpu.memref_slice %arg9[%dma_wait3A_803, %dma_wait3A_808] : memref<6x128xi32, #tpu.memory_space<vmem>> -> memref<1x128xi32, #tpu.memory_space<vmem>>
        %dma_wait3A_810 = tpu.memref_squeeze %dma_wait3A_809 : memref<1x128xi32, #tpu.memory_space<vmem>> -> memref<128xi32, #tpu.memory_space<vmem>>
        %dma_wait3A_811 = arith.constant 0 : i32
        %dma_wait3A_812 = arith.constant 0 : i32
        %dma_wait3A_813 = tpu.memref_slice %arg5[%dma_wait3A_811, %dma_wait3A_812] : memref<102400x16xf32, #tpu.memory_space<vmem_shared>> -> memref<102400x16xf32, #tpu.memory_space<vmem_shared>>
        %dma_wait3A_814 = tpu.memref_slice %arg14[%dma_wait3A_804] : memref<2x!tpu.dma_semaphore, #tpu.memory_space<semaphore_mem>> -> memref<1x!tpu.dma_semaphore, #tpu.memory_space<semaphore_mem>>
        %dma_wait3A_815 = tpu.memref_squeeze %dma_wait3A_814 : memref<1x!tpu.dma_semaphore, #tpu.memory_space<semaphore_mem>> -> memref<!tpu.dma_semaphore, #tpu.memory_space<semaphore_mem>>
        tpu.wait_indirect_dma semaphore(%dma_wait3A_815 : memref<!tpu.dma_semaphore, #tpu.memory_space<semaphore_mem>>) src(%dma_wait3A_807 : memref<128x16xf32, #tpu.memory_space<vmem>>) dst(%dma_wait3A_813 : memref<102400x16xf32, #tpu.memory_space<vmem_shared>>)
      } else {
      }
      %add3A_225 = arith.constant 1 : i32
      %add3A_226 = arith.addi %mul3A_126, %add3A_225 : i32
      %mul3A_227 = arith.constant 6 : i32
      %mul3A_228 = arith.muli %add3A_226, %mul3A_227 : i32
      %add3A_229 = arith.addi %mul3A_14, %mul3A_228 : i32
      %dma_start3A_230 = arith.constant 1 : i32
      %dma_start3A_231 = arith.constant 0 : i32
      %dma_start3A_232 = tpu.memref_slice %arg2[%add3A_229, %dma_start3A_231] : memref<100608x128xi32, #tpu.memory_space<hbm>> -> memref<6x128xi32, #tpu.memory_space<hbm>>
      %dma_start3A_233 = tpu.memref_slice %arg12[%dma_start3A_230] : memref<2x!tpu.dma_semaphore, #tpu.memory_space<semaphore_mem>> -> memref<1x!tpu.dma_semaphore, #tpu.memory_space<semaphore_mem>>
      %dma_start3A_234 = tpu.memref_squeeze %dma_start3A_233 : memref<1x!tpu.dma_semaphore, #tpu.memory_space<semaphore_mem>> -> memref<!tpu.dma_semaphore, #tpu.memory_space<semaphore_mem>>
      %dma_start3A_235 = arith.constant 0 : i32
      %dma_start3A_236 = tpu.memref_slice %arg2[%add3A_229, %dma_start3A_235] : memref<100608x128xi32, #tpu.memory_space<hbm>> -> memref<6x128xi32, #tpu.memory_space<hbm>>
      tpu.enqueue_dma source(%dma_start3A_236 : memref<6x128xi32, #tpu.memory_space<hbm>>) target(%arg7 : memref<6x128xi32, #tpu.memory_space<vmem>>) target_semaphore(%dma_start3A_234 : memref<!tpu.dma_semaphore, #tpu.memory_space<semaphore_mem>>)
      %add3A_237 = arith.constant 50304 : i32
      %add3A_238 = arith.addi %add3A_237, %add3A_229 : i32
      %dma_start3A_239 = arith.constant 1 : i32
      %dma_start3A_240 = arith.constant 0 : i32
      %dma_start3A_241 = tpu.memref_slice %arg2[%add3A_238, %dma_start3A_240] : memref<100608x128xi32, #tpu.memory_space<hbm>> -> memref<6x128xi32, #tpu.memory_space<hbm>>
      %dma_start3A_242 = tpu.memref_slice %arg12[%dma_start3A_239] : memref<2x!tpu.dma_semaphore, #tpu.memory_space<semaphore_mem>> -> memref<1x!tpu.dma_semaphore, #tpu.memory_space<semaphore_mem>>
      %dma_start3A_243 = tpu.memref_squeeze %dma_start3A_242 : memref<1x!tpu.dma_semaphore, #tpu.memory_space<semaphore_mem>> -> memref<!tpu.dma_semaphore, #tpu.memory_space<semaphore_mem>>
      %dma_start3A_244 = arith.constant 0 : i32
      %dma_start3A_245 = tpu.memref_slice %arg2[%add3A_238, %dma_start3A_244] : memref<100608x128xi32, #tpu.memory_space<hbm>> -> memref<6x128xi32, #tpu.memory_space<hbm>>
      tpu.enqueue_dma source(%dma_start3A_245 : memref<6x128xi32, #tpu.memory_space<hbm>>) target(%arg9 : memref<6x128xi32, #tpu.memory_space<vmem>>) target_semaphore(%dma_start3A_243 : memref<!tpu.dma_semaphore, #tpu.memory_space<semaphore_mem>>)
      %dma_wait3A_246 = arith.constant 0 : i32
      %dma_wait3A_247 = arith.constant 0 : i32
      %dma_wait3A_248 = arith.constant 0 : i32
      %dma_wait3A_249 = arith.constant 0 : i32
      %dma_wait3A_250 = tpu.memref_slice %arg10[%dma_wait3A_248, %dma_wait3A_249] : memref<768x16xf32, #tpu.memory_space<vmem>> -> memref<128x16xf32, #tpu.memory_space<vmem>>
      %dma_wait3A_251 = arith.constant 0 : i32
      %dma_wait3A_252 = tpu.memref_slice %arg6[%dma_wait3A_246, %dma_wait3A_251] : memref<6x128xi32, #tpu.memory_space<vmem>> -> memref<1x128xi32, #tpu.memory_space<vmem>>
      %dma_wait3A_253 = tpu.memref_squeeze %dma_wait3A_252 : memref<1x128xi32, #tpu.memory_space<vmem>> -> memref<128xi32, #tpu.memory_space<vmem>>
      %dma_wait3A_254 = arith.constant 0 : i32
      %dma_wait3A_255 = arith.constant 0 : i32
      %dma_wait3A_256 = tpu.memref_slice %arg3[%dma_wait3A_254, %dma_wait3A_255] : memref<102400x16xf32, #tpu.memory_space<hbm>> -> memref<102400x16xf32, #tpu.memory_space<hbm>>
      %dma_wait3A_257 = tpu.memref_slice %arg13[%dma_wait3A_247] : memref<2x!tpu.dma_semaphore, #tpu.memory_space<semaphore_mem>> -> memref<1x!tpu.dma_semaphore, #tpu.memory_space<semaphore_mem>>
      %dma_wait3A_258 = tpu.memref_squeeze %dma_wait3A_257 : memref<1x!tpu.dma_semaphore, #tpu.memory_space<semaphore_mem>> -> memref<!tpu.dma_semaphore, #tpu.memory_space<semaphore_mem>>
      tpu.wait_indirect_dma semaphore(%dma_wait3A_258 : memref<!tpu.dma_semaphore, #tpu.memory_space<semaphore_mem>>) src(%dma_wait3A_256 : memref<102400x16xf32, #tpu.memory_space<hbm>>) dst(%dma_wait3A_250 : memref<128x16xf32, #tpu.memory_space<vmem>>)
      %dma_wait3A_259 = arith.constant 1 : i32
      %dma_wait3A_260 = arith.constant 0 : i32
      %dma_wait3A_261 = arith.constant 128 : i32
      %dma_wait3A_262 = arith.constant 0 : i32
      %dma_wait3A_263 = tpu.memref_slice %arg10[%dma_wait3A_261, %dma_wait3A_262] : memref<768x16xf32, #tpu.memory_space<vmem>> -> memref<128x16xf32, #tpu.memory_space<vmem>>
      %dma_wait3A_264 = arith.constant 0 : i32
      %dma_wait3A_265 = tpu.memref_slice %arg6[%dma_wait3A_259, %dma_wait3A_264] : memref<6x128xi32, #tpu.memory_space<vmem>> -> memref<1x128xi32, #tpu.memory_space<vmem>>
      %dma_wait3A_266 = tpu.memref_squeeze %dma_wait3A_265 : memref<1x128xi32, #tpu.memory_space<vmem>> -> memref<128xi32, #tpu.memory_space<vmem>>
      %dma_wait3A_267 = arith.constant 0 : i32
      %dma_wait3A_268 = arith.constant 0 : i32
      %dma_wait3A_269 = tpu.memref_slice %arg3[%dma_wait3A_267, %dma_wait3A_268] : memref<102400x16xf32, #tpu.memory_space<hbm>> -> memref<102400x16xf32, #tpu.memory_space<hbm>>
      %dma_wait3A_270 = tpu.memref_slice %arg13[%dma_wait3A_260] : memref<2x!tpu.dma_semaphore, #tpu.memory_space<semaphore_mem>> -> memref<1x!tpu.dma_semaphore, #tpu.memory_space<semaphore_mem>>
      %dma_wait3A_271 = tpu.memref_squeeze %dma_wait3A_270 : memref<1x!tpu.dma_semaphore, #tpu.memory_space<semaphore_mem>> -> memref<!tpu.dma_semaphore, #tpu.memory_space<semaphore_mem>>
      tpu.wait_indirect_dma semaphore(%dma_wait3A_271 : memref<!tpu.dma_semaphore, #tpu.memory_space<semaphore_mem>>) src(%dma_wait3A_269 : memref<102400x16xf32, #tpu.memory_space<hbm>>) dst(%dma_wait3A_263 : memref<128x16xf32, #tpu.memory_space<vmem>>)
      %dma_wait3A_272 = arith.constant 2 : i32
      %dma_wait3A_273 = arith.constant 0 : i32
      %dma_wait3A_274 = arith.constant 256 : i32
      %dma_wait3A_275 = arith.constant 0 : i32
      %dma_wait3A_276 = tpu.memref_slice %arg10[%dma_wait3A_274, %dma_wait3A_275] : memref<768x16xf32, #tpu.memory_space<vmem>> -> memref<128x16xf32, #tpu.memory_space<vmem>>
      %dma_wait3A_277 = arith.constant 0 : i32
      %dma_wait3A_278 = tpu.memref_slice %arg6[%dma_wait3A_272, %dma_wait3A_277] : memref<6x128xi32, #tpu.memory_space<vmem>> -> memref<1x128xi32, #tpu.memory_space<vmem>>
      %dma_wait3A_279 = tpu.memref_squeeze %dma_wait3A_278 : memref<1x128xi32, #tpu.memory_space<vmem>> -> memref<128xi32, #tpu.memory_space<vmem>>
      %dma_wait3A_280 = arith.constant 0 : i32
      %dma_wait3A_281 = arith.constant 0 : i32
      %dma_wait3A_282 = tpu.memref_slice %arg3[%dma_wait3A_280, %dma_wait3A_281] : memref<102400x16xf32, #tpu.memory_space<hbm>> -> memref<102400x16xf32, #tpu.memory_space<hbm>>
      %dma_wait3A_283 = tpu.memref_slice %arg13[%dma_wait3A_273] : memref<2x!tpu.dma_semaphore, #tpu.memory_space<semaphore_mem>> -> memref<1x!tpu.dma_semaphore, #tpu.memory_space<semaphore_mem>>
      %dma_wait3A_284 = tpu.memref_squeeze %dma_wait3A_283 : memref<1x!tpu.dma_semaphore, #tpu.memory_space<semaphore_mem>> -> memref<!tpu.dma_semaphore, #tpu.memory_space<semaphore_mem>>
      tpu.wait_indirect_dma semaphore(%dma_wait3A_284 : memref<!tpu.dma_semaphore, #tpu.memory_space<semaphore_mem>>) src(%dma_wait3A_282 : memref<102400x16xf32, #tpu.memory_space<hbm>>) dst(%dma_wait3A_276 : memref<128x16xf32, #tpu.memory_space<vmem>>)
      %dma_wait3A_285 = arith.constant 3 : i32
      %dma_wait3A_286 = arith.constant 0 : i32
      %dma_wait3A_287 = arith.constant 384 : i32
      %dma_wait3A_288 = arith.constant 0 : i32
      %dma_wait3A_289 = tpu.memref_slice %arg10[%dma_wait3A_287, %dma_wait3A_288] : memref<768x16xf32, #tpu.memory_space<vmem>> -> memref<128x16xf32, #tpu.memory_space<vmem>>
      %dma_wait3A_290 = arith.constant 0 : i32
      %dma_wait3A_291 = tpu.memref_slice %arg6[%dma_wait3A_285, %dma_wait3A_290] : memref<6x128xi32, #tpu.memory_space<vmem>> -> memref<1x128xi32, #tpu.memory_space<vmem>>
      %dma_wait3A_292 = tpu.memref_squeeze %dma_wait3A_291 : memref<1x128xi32, #tpu.memory_space<vmem>> -> memref<128xi32, #tpu.memory_space<vmem>>
      %dma_wait3A_293 = arith.constant 0 : i32
      %dma_wait3A_294 = arith.constant 0 : i32
      %dma_wait3A_295 = tpu.memref_slice %arg3[%dma_wait3A_293, %dma_wait3A_294] : memref<102400x16xf32, #tpu.memory_space<hbm>> -> memref<102400x16xf32, #tpu.memory_space<hbm>>
      %dma_wait3A_296 = tpu.memref_slice %arg13[%dma_wait3A_286] : memref<2x!tpu.dma_semaphore, #tpu.memory_space<semaphore_mem>> -> memref<1x!tpu.dma_semaphore, #tpu.memory_space<semaphore_mem>>
      %dma_wait3A_297 = tpu.memref_squeeze %dma_wait3A_296 : memref<1x!tpu.dma_semaphore, #tpu.memory_space<semaphore_mem>> -> memref<!tpu.dma_semaphore, #tpu.memory_space<semaphore_mem>>
      tpu.wait_indirect_dma semaphore(%dma_wait3A_297 : memref<!tpu.dma_semaphore, #tpu.memory_space<semaphore_mem>>) src(%dma_wait3A_295 : memref<102400x16xf32, #tpu.memory_space<hbm>>) dst(%dma_wait3A_289 : memref<128x16xf32, #tpu.memory_space<vmem>>)
      %dma_wait3A_298 = arith.constant 4 : i32
      %dma_wait3A_299 = arith.constant 0 : i32
      %dma_wait3A_300 = arith.constant 512 : i32
      %dma_wait3A_301 = arith.constant 0 : i32
      %dma_wait3A_302 = tpu.memref_slice %arg10[%dma_wait3A_300, %dma_wait3A_301] : memref<768x16xf32, #tpu.memory_space<vmem>> -> memref<128x16xf32, #tpu.memory_space<vmem>>
      %dma_wait3A_303 = arith.constant 0 : i32
      %dma_wait3A_304 = tpu.memref_slice %arg6[%dma_wait3A_298, %dma_wait3A_303] : memref<6x128xi32, #tpu.memory_space<vmem>> -> memref<1x128xi32, #tpu.memory_space<vmem>>
      %dma_wait3A_305 = tpu.memref_squeeze %dma_wait3A_304 : memref<1x128xi32, #tpu.memory_space<vmem>> -> memref<128xi32, #tpu.memory_space<vmem>>
      %dma_wait3A_306 = arith.constant 0 : i32
      %dma_wait3A_307 = arith.constant 0 : i32
      %dma_wait3A_308 = tpu.memref_slice %arg3[%dma_wait3A_306, %dma_wait3A_307] : memref<102400x16xf32, #tpu.memory_space<hbm>> -> memref<102400x16xf32, #tpu.memory_space<hbm>>
      %dma_wait3A_309 = tpu.memref_slice %arg13[%dma_wait3A_299] : memref<2x!tpu.dma_semaphore, #tpu.memory_space<semaphore_mem>> -> memref<1x!tpu.dma_semaphore, #tpu.memory_space<semaphore_mem>>
      %dma_wait3A_310 = tpu.memref_squeeze %dma_wait3A_309 : memref<1x!tpu.dma_semaphore, #tpu.memory_space<semaphore_mem>> -> memref<!tpu.dma_semaphore, #tpu.memory_space<semaphore_mem>>
      tpu.wait_indirect_dma semaphore(%dma_wait3A_310 : memref<!tpu.dma_semaphore, #tpu.memory_space<semaphore_mem>>) src(%dma_wait3A_308 : memref<102400x16xf32, #tpu.memory_space<hbm>>) dst(%dma_wait3A_302 : memref<128x16xf32, #tpu.memory_space<vmem>>)
      %dma_wait3A_311 = arith.constant 5 : i32
      %dma_wait3A_312 = arith.constant 0 : i32
      %dma_wait3A_313 = arith.constant 640 : i32
      %dma_wait3A_314 = arith.constant 0 : i32
      %dma_wait3A_315 = tpu.memref_slice %arg10[%dma_wait3A_313, %dma_wait3A_314] : memref<768x16xf32, #tpu.memory_space<vmem>> -> memref<128x16xf32, #tpu.memory_space<vmem>>
      %dma_wait3A_316 = arith.constant 0 : i32
      %dma_wait3A_317 = tpu.memref_slice %arg6[%dma_wait3A_311, %dma_wait3A_316] : memref<6x128xi32, #tpu.memory_space<vmem>> -> memref<1x128xi32, #tpu.memory_space<vmem>>
      %dma_wait3A_318 = tpu.memref_squeeze %dma_wait3A_317 : memref<1x128xi32, #tpu.memory_space<vmem>> -> memref<128xi32, #tpu.memory_space<vmem>>
      %dma_wait3A_319 = arith.constant 0 : i32
      %dma_wait3A_320 = arith.constant 0 : i32
      %dma_wait3A_321 = tpu.memref_slice %arg3[%dma_wait3A_319, %dma_wait3A_320] : memref<102400x16xf32, #tpu.memory_space<hbm>> -> memref<102400x16xf32, #tpu.memory_space<hbm>>
      %dma_wait3A_322 = tpu.memref_slice %arg13[%dma_wait3A_312] : memref<2x!tpu.dma_semaphore, #tpu.memory_space<semaphore_mem>> -> memref<1x!tpu.dma_semaphore, #tpu.memory_space<semaphore_mem>>
      %dma_wait3A_323 = tpu.memref_squeeze %dma_wait3A_322 : memref<1x!tpu.dma_semaphore, #tpu.memory_space<semaphore_mem>> -> memref<!tpu.dma_semaphore, #tpu.memory_space<semaphore_mem>>
      tpu.wait_indirect_dma semaphore(%dma_wait3A_323 : memref<!tpu.dma_semaphore, #tpu.memory_space<semaphore_mem>>) src(%dma_wait3A_321 : memref<102400x16xf32, #tpu.memory_space<hbm>>) dst(%dma_wait3A_315 : memref<128x16xf32, #tpu.memory_space<vmem>>)
      %dma_start3A_324 = arith.constant 0 : i32
      %dma_start3A_325 = arith.constant 0 : i32
      %dma_start3A_326 = arith.constant 0 : i32
      %dma_start3A_327 = arith.constant 0 : i32
      %dma_start3A_328 = tpu.memref_slice %arg10[%dma_start3A_326, %dma_start3A_327] : memref<768x16xf32, #tpu.memory_space<vmem>> -> memref<128x16xf32, #tpu.memory_space<vmem>>
      %dma_start3A_329 = arith.constant 0 : i32
      %dma_start3A_330 = tpu.memref_slice %arg8[%dma_start3A_324, %dma_start3A_329] : memref<6x128xi32, #tpu.memory_space<vmem>> -> memref<1x128xi32, #tpu.memory_space<vmem>>
      %dma_start3A_331 = tpu.memref_squeeze %dma_start3A_330 : memref<1x128xi32, #tpu.memory_space<vmem>> -> memref<128xi32, #tpu.memory_space<vmem>>
      %dma_start3A_332 = arith.constant 0 : i32
      %dma_start3A_333 = arith.constant 0 : i32
      %dma_start3A_334 = tpu.memref_slice %arg5[%dma_start3A_332, %dma_start3A_333] : memref<102400x16xf32, #tpu.memory_space<vmem_shared>> -> memref<102400x16xf32, #tpu.memory_space<vmem_shared>>
      %dma_start3A_335 = tpu.memref_slice %arg14[%dma_start3A_325] : memref<2x!tpu.dma_semaphore, #tpu.memory_space<semaphore_mem>> -> memref<1x!tpu.dma_semaphore, #tpu.memory_space<semaphore_mem>>
      %dma_start3A_336 = tpu.memref_squeeze %dma_start3A_335 : memref<1x!tpu.dma_semaphore, #tpu.memory_space<semaphore_mem>> -> memref<!tpu.dma_semaphore, #tpu.memory_space<semaphore_mem>>
      tpu.enqueue_indirect_dma source(%dma_start3A_328 : memref<128x16xf32, #tpu.memory_space<vmem>>) target(%dma_start3A_334 : memref<102400x16xf32, #tpu.memory_space<vmem_shared>>) offsets(%dma_start3A_331 : memref<128xi32, #tpu.memory_space<vmem>>) semaphore(%dma_start3A_336 : memref<!tpu.dma_semaphore, #tpu.memory_space<semaphore_mem>>) {add = true}
      %dma_start3A_337 = arith.constant 1 : i32
      %dma_start3A_338 = arith.constant 0 : i32
      %dma_start3A_339 = arith.constant 128 : i32
      %dma_start3A_340 = arith.constant 0 : i32
      %dma_start3A_341 = tpu.memref_slice %arg10[%dma_start3A_339, %dma_start3A_340] : memref<768x16xf32, #tpu.memory_space<vmem>> -> memref<128x16xf32, #tpu.memory_space<vmem>>
      %dma_start3A_342 = arith.constant 0 : i32
      %dma_start3A_343 = tpu.memref_slice %arg8[%dma_start3A_337, %dma_start3A_342] : memref<6x128xi32, #tpu.memory_space<vmem>> -> memref<1x128xi32, #tpu.memory_space<vmem>>
      %dma_start3A_344 = tpu.memref_squeeze %dma_start3A_343 : memref<1x128xi32, #tpu.memory_space<vmem>> -> memref<128xi32, #tpu.memory_space<vmem>>
      %dma_start3A_345 = arith.constant 0 : i32
      %dma_start3A_346 = arith.constant 0 : i32
      %dma_start3A_347 = tpu.memref_slice %arg5[%dma_start3A_345, %dma_start3A_346] : memref<102400x16xf32, #tpu.memory_space<vmem_shared>> -> memref<102400x16xf32, #tpu.memory_space<vmem_shared>>
      %dma_start3A_348 = tpu.memref_slice %arg14[%dma_start3A_338] : memref<2x!tpu.dma_semaphore, #tpu.memory_space<semaphore_mem>> -> memref<1x!tpu.dma_semaphore, #tpu.memory_space<semaphore_mem>>
      %dma_start3A_349 = tpu.memref_squeeze %dma_start3A_348 : memref<1x!tpu.dma_semaphore, #tpu.memory_space<semaphore_mem>> -> memref<!tpu.dma_semaphore, #tpu.memory_space<semaphore_mem>>
      tpu.enqueue_indirect_dma source(%dma_start3A_341 : memref<128x16xf32, #tpu.memory_space<vmem>>) target(%dma_start3A_347 : memref<102400x16xf32, #tpu.memory_space<vmem_shared>>) offsets(%dma_start3A_344 : memref<128xi32, #tpu.memory_space<vmem>>) semaphore(%dma_start3A_349 : memref<!tpu.dma_semaphore, #tpu.memory_space<semaphore_mem>>) {add = true}
      %dma_start3A_350 = arith.constant 2 : i32
      %dma_start3A_351 = arith.constant 0 : i32
      %dma_start3A_352 = arith.constant 256 : i32
      %dma_start3A_353 = arith.constant 0 : i32
      %dma_start3A_354 = tpu.memref_slice %arg10[%dma_start3A_352, %dma_start3A_353] : memref<768x16xf32, #tpu.memory_space<vmem>> -> memref<128x16xf32, #tpu.memory_space<vmem>>
      %dma_start3A_355 = arith.constant 0 : i32
      %dma_start3A_356 = tpu.memref_slice %arg8[%dma_start3A_350, %dma_start3A_355] : memref<6x128xi32, #tpu.memory_space<vmem>> -> memref<1x128xi32, #tpu.memory_space<vmem>>
      %dma_start3A_357 = tpu.memref_squeeze %dma_start3A_356 : memref<1x128xi32, #tpu.memory_space<vmem>> -> memref<128xi32, #tpu.memory_space<vmem>>
      %dma_start3A_358 = arith.constant 0 : i32
      %dma_start3A_359 = arith.constant 0 : i32
      %dma_start3A_360 = tpu.memref_slice %arg5[%dma_start3A_358, %dma_start3A_359] : memref<102400x16xf32, #tpu.memory_space<vmem_shared>> -> memref<102400x16xf32, #tpu.memory_space<vmem_shared>>
      %dma_start3A_361 = tpu.memref_slice %arg14[%dma_start3A_351] : memref<2x!tpu.dma_semaphore, #tpu.memory_space<semaphore_mem>> -> memref<1x!tpu.dma_semaphore, #tpu.memory_space<semaphore_mem>>
      %dma_start3A_362 = tpu.memref_squeeze %dma_start3A_361 : memref<1x!tpu.dma_semaphore, #tpu.memory_space<semaphore_mem>> -> memref<!tpu.dma_semaphore, #tpu.memory_space<semaphore_mem>>
      tpu.enqueue_indirect_dma source(%dma_start3A_354 : memref<128x16xf32, #tpu.memory_space<vmem>>) target(%dma_start3A_360 : memref<102400x16xf32, #tpu.memory_space<vmem_shared>>) offsets(%dma_start3A_357 : memref<128xi32, #tpu.memory_space<vmem>>) semaphore(%dma_start3A_362 : memref<!tpu.dma_semaphore, #tpu.memory_space<semaphore_mem>>) {add = true}
      %dma_start3A_363 = arith.constant 3 : i32
      %dma_start3A_364 = arith.constant 0 : i32
      %dma_start3A_365 = arith.constant 384 : i32
      %dma_start3A_366 = arith.constant 0 : i32
      %dma_start3A_367 = tpu.memref_slice %arg10[%dma_start3A_365, %dma_start3A_366] : memref<768x16xf32, #tpu.memory_space<vmem>> -> memref<128x16xf32, #tpu.memory_space<vmem>>
      %dma_start3A_368 = arith.constant 0 : i32
      %dma_start3A_369 = tpu.memref_slice %arg8[%dma_start3A_363, %dma_start3A_368] : memref<6x128xi32, #tpu.memory_space<vmem>> -> memref<1x128xi32, #tpu.memory_space<vmem>>
      %dma_start3A_370 = tpu.memref_squeeze %dma_start3A_369 : memref<1x128xi32, #tpu.memory_space<vmem>> -> memref<128xi32, #tpu.memory_space<vmem>>
      %dma_start3A_371 = arith.constant 0 : i32
      %dma_start3A_372 = arith.constant 0 : i32
      %dma_start3A_373 = tpu.memref_slice %arg5[%dma_start3A_371, %dma_start3A_372] : memref<102400x16xf32, #tpu.memory_space<vmem_shared>> -> memref<102400x16xf32, #tpu.memory_space<vmem_shared>>
      %dma_start3A_374 = tpu.memref_slice %arg14[%dma_start3A_364] : memref<2x!tpu.dma_semaphore, #tpu.memory_space<semaphore_mem>> -> memref<1x!tpu.dma_semaphore, #tpu.memory_space<semaphore_mem>>
      %dma_start3A_375 = tpu.memref_squeeze %dma_start3A_374 : memref<1x!tpu.dma_semaphore, #tpu.memory_space<semaphore_mem>> -> memref<!tpu.dma_semaphore, #tpu.memory_space<semaphore_mem>>
      tpu.enqueue_indirect_dma source(%dma_start3A_367 : memref<128x16xf32, #tpu.memory_space<vmem>>) target(%dma_start3A_373 : memref<102400x16xf32, #tpu.memory_space<vmem_shared>>) offsets(%dma_start3A_370 : memref<128xi32, #tpu.memory_space<vmem>>) semaphore(%dma_start3A_375 : memref<!tpu.dma_semaphore, #tpu.memory_space<semaphore_mem>>) {add = true}
      %dma_start3A_376 = arith.constant 4 : i32
      %dma_start3A_377 = arith.constant 0 : i32
      %dma_start3A_378 = arith.constant 512 : i32
      %dma_start3A_379 = arith.constant 0 : i32
      %dma_start3A_380 = tpu.memref_slice %arg10[%dma_start3A_378, %dma_start3A_379] : memref<768x16xf32, #tpu.memory_space<vmem>> -> memref<128x16xf32, #tpu.memory_space<vmem>>
      %dma_start3A_381 = arith.constant 0 : i32
      %dma_start3A_382 = tpu.memref_slice %arg8[%dma_start3A_376, %dma_start3A_381] : memref<6x128xi32, #tpu.memory_space<vmem>> -> memref<1x128xi32, #tpu.memory_space<vmem>>
      %dma_start3A_383 = tpu.memref_squeeze %dma_start3A_382 : memref<1x128xi32, #tpu.memory_space<vmem>> -> memref<128xi32, #tpu.memory_space<vmem>>
      %dma_start3A_384 = arith.constant 0 : i32
      %dma_start3A_385 = arith.constant 0 : i32
      %dma_start3A_386 = tpu.memref_slice %arg5[%dma_start3A_384, %dma_start3A_385] : memref<102400x16xf32, #tpu.memory_space<vmem_shared>> -> memref<102400x16xf32, #tpu.memory_space<vmem_shared>>
      %dma_start3A_387 = tpu.memref_slice %arg14[%dma_start3A_377] : memref<2x!tpu.dma_semaphore, #tpu.memory_space<semaphore_mem>> -> memref<1x!tpu.dma_semaphore, #tpu.memory_space<semaphore_mem>>
      %dma_start3A_388 = tpu.memref_squeeze %dma_start3A_387 : memref<1x!tpu.dma_semaphore, #tpu.memory_space<semaphore_mem>> -> memref<!tpu.dma_semaphore, #tpu.memory_space<semaphore_mem>>
      tpu.enqueue_indirect_dma source(%dma_start3A_380 : memref<128x16xf32, #tpu.memory_space<vmem>>) target(%dma_start3A_386 : memref<102400x16xf32, #tpu.memory_space<vmem_shared>>) offsets(%dma_start3A_383 : memref<128xi32, #tpu.memory_space<vmem>>) semaphore(%dma_start3A_388 : memref<!tpu.dma_semaphore, #tpu.memory_space<semaphore_mem>>) {add = true}
      %dma_start3A_389 = arith.constant 5 : i32
      %dma_start3A_390 = arith.constant 0 : i32
      %dma_start3A_391 = arith.constant 640 : i32
      %dma_start3A_392 = arith.constant 0 : i32
      %dma_start3A_393 = tpu.memref_slice %arg10[%dma_start3A_391, %dma_start3A_392] : memref<768x16xf32, #tpu.memory_space<vmem>> -> memref<128x16xf32, #tpu.memory_space<vmem>>
      %dma_start3A_394 = arith.constant 0 : i32
      %dma_start3A_395 = tpu.memref_slice %arg8[%dma_start3A_389, %dma_start3A_394] : memref<6x128xi32, #tpu.memory_space<vmem>> -> memref<1x128xi32, #tpu.memory_space<vmem>>
      %dma_start3A_396 = tpu.memref_squeeze %dma_start3A_395 : memref<1x128xi32, #tpu.memory_space<vmem>> -> memref<128xi32, #tpu.memory_space<vmem>>
      %dma_start3A_397 = arith.constant 0 : i32
      %dma_start3A_398 = arith.constant 0 : i32
      %dma_start3A_399 = tpu.memref_slice %arg5[%dma_start3A_397, %dma_start3A_398] : memref<102400x16xf32, #tpu.memory_space<vmem_shared>> -> memref<102400x16xf32, #tpu.memory_space<vmem_shared>>
      %dma_start3A_400 = tpu.memref_slice %arg14[%dma_start3A_390] : memref<2x!tpu.dma_semaphore, #tpu.memory_space<semaphore_mem>> -> memref<1x!tpu.dma_semaphore, #tpu.memory_space<semaphore_mem>>
      %dma_start3A_401 = tpu.memref_squeeze %dma_start3A_400 : memref<1x!tpu.dma_semaphore, #tpu.memory_space<semaphore_mem>> -> memref<!tpu.dma_semaphore, #tpu.memory_space<semaphore_mem>>
      tpu.enqueue_indirect_dma source(%dma_start3A_393 : memref<128x16xf32, #tpu.memory_space<vmem>>) target(%dma_start3A_399 : memref<102400x16xf32, #tpu.memory_space<vmem_shared>>) offsets(%dma_start3A_396 : memref<128xi32, #tpu.memory_space<vmem>>) semaphore(%dma_start3A_401 : memref<!tpu.dma_semaphore, #tpu.memory_space<semaphore_mem>>) {add = true}
      %dma_wait3A_402 = arith.constant 1 : i32
      %dma_wait3A_403 = arith.constant 0 : i32
      %dma_wait3A_404 = arith.constant 0 : i32
      %dma_wait3A_405 = tpu.memref_slice %arg2[%dma_wait3A_403, %dma_wait3A_404] : memref<100608x128xi32, #tpu.memory_space<hbm>> -> memref<6x128xi32, #tpu.memory_space<hbm>>
      %dma_wait3A_406 = tpu.memref_slice %arg12[%dma_wait3A_402] : memref<2x!tpu.dma_semaphore, #tpu.memory_space<semaphore_mem>> -> memref<1x!tpu.dma_semaphore, #tpu.memory_space<semaphore_mem>>
      %dma_wait3A_407 = tpu.memref_squeeze %dma_wait3A_406 : memref<1x!tpu.dma_semaphore, #tpu.memory_space<semaphore_mem>> -> memref<!tpu.dma_semaphore, #tpu.memory_space<semaphore_mem>>
      %dma_wait3A_408 = arith.constant 0 : i32
      %dma_wait3A_409 = arith.constant 0 : i32
      %dma_wait3A_410 = tpu.memref_slice %arg2[%dma_wait3A_408, %dma_wait3A_409] : memref<100608x128xi32, #tpu.memory_space<hbm>> -> memref<6x128xi32, #tpu.memory_space<hbm>>
      tpu.wait_dma2 semaphore(%dma_wait3A_407 : memref<!tpu.dma_semaphore, #tpu.memory_space<semaphore_mem>>) src(%dma_wait3A_410 : memref<6x128xi32, #tpu.memory_space<hbm>>) dst(%arg7 : memref<6x128xi32, #tpu.memory_space<vmem>>)
      %dma_wait3A_411 = arith.constant 1 : i32
      %dma_wait3A_412 = arith.constant 0 : i32
      %dma_wait3A_413 = arith.constant 0 : i32
      %dma_wait3A_414 = tpu.memref_slice %arg2[%dma_wait3A_412, %dma_wait3A_413] : memref<100608x128xi32, #tpu.memory_space<hbm>> -> memref<6x128xi32, #tpu.memory_space<hbm>>
      %dma_wait3A_415 = tpu.memref_slice %arg12[%dma_wait3A_411] : memref<2x!tpu.dma_semaphore, #tpu.memory_space<semaphore_mem>> -> memref<1x!tpu.dma_semaphore, #tpu.memory_space<semaphore_mem>>
      %dma_wait3A_416 = tpu.memref_squeeze %dma_wait3A_415 : memref<1x!tpu.dma_semaphore, #tpu.memory_space<semaphore_mem>> -> memref<!tpu.dma_semaphore, #tpu.memory_space<semaphore_mem>>
      %dma_wait3A_417 = arith.constant 0 : i32
      %dma_wait3A_418 = arith.constant 0 : i32
      %dma_wait3A_419 = tpu.memref_slice %arg2[%dma_wait3A_417, %dma_wait3A_418] : memref<100608x128xi32, #tpu.memory_space<hbm>> -> memref<6x128xi32, #tpu.memory_space<hbm>>
      tpu.wait_dma2 semaphore(%dma_wait3A_416 : memref<!tpu.dma_semaphore, #tpu.memory_space<semaphore_mem>>) src(%dma_wait3A_419 : memref<6x128xi32, #tpu.memory_space<hbm>>) dst(%arg9 : memref<6x128xi32, #tpu.memory_space<vmem>>)
      %dma_start3A_420 = arith.constant 0 : i32
      %dma_start3A_421 = arith.constant 1 : i32
      %dma_start3A_422 = arith.constant 0 : i32
      %dma_start3A_423 = arith.constant 0 : i32
      %dma_start3A_424 = tpu.memref_slice %arg11[%dma_start3A_422, %dma_start3A_423] : memref<768x16xf32, #tpu.memory_space<vmem>> -> memref<128x16xf32, #tpu.memory_space<vmem>>
      %dma_start3A_425 = arith.constant 0 : i32
      %dma_start3A_426 = tpu.memref_slice %arg7[%dma_start3A_420, %dma_start3A_425] : memref<6x128xi32, #tpu.memory_space<vmem>> -> memref<1x128xi32, #tpu.memory_space<vmem>>
      %dma_start3A_427 = tpu.memref_squeeze %dma_start3A_426 : memref<1x128xi32, #tpu.memory_space<vmem>> -> memref<128xi32, #tpu.memory_space<vmem>>
      %dma_start3A_428 = arith.constant 0 : i32
      %dma_start3A_429 = arith.constant 0 : i32
      %dma_start3A_430 = tpu.memref_slice %arg3[%dma_start3A_428, %dma_start3A_429] : memref<102400x16xf32, #tpu.memory_space<hbm>> -> memref<102400x16xf32, #tpu.memory_space<hbm>>
      %dma_start3A_431 = tpu.memref_slice %arg13[%dma_start3A_421] : memref<2x!tpu.dma_semaphore, #tpu.memory_space<semaphore_mem>> -> memref<1x!tpu.dma_semaphore, #tpu.memory_space<semaphore_mem>>
      %dma_start3A_432 = tpu.memref_squeeze %dma_start3A_431 : memref<1x!tpu.dma_semaphore, #tpu.memory_space<semaphore_mem>> -> memref<!tpu.dma_semaphore, #tpu.memory_space<semaphore_mem>>
      tpu.enqueue_indirect_dma source(%dma_start3A_430 : memref<102400x16xf32, #tpu.memory_space<hbm>>) target(%dma_start3A_424 : memref<128x16xf32, #tpu.memory_space<vmem>>) offsets(%dma_start3A_427 : memref<128xi32, #tpu.memory_space<vmem>>) semaphore(%dma_start3A_432 : memref<!tpu.dma_semaphore, #tpu.memory_space<semaphore_mem>>)
      %dma_start3A_433 = arith.constant 1 : i32
      %dma_start3A_434 = arith.constant 1 : i32
      %dma_start3A_435 = arith.constant 128 : i32
      %dma_start3A_436 = arith.constant 0 : i32
      %dma_start3A_437 = tpu.memref_slice %arg11[%dma_start3A_435, %dma_start3A_436] : memref<768x16xf32, #tpu.memory_space<vmem>> -> memref<128x16xf32, #tpu.memory_space<vmem>>
      %dma_start3A_438 = arith.constant 0 : i32
      %dma_start3A_439 = tpu.memref_slice %arg7[%dma_start3A_433, %dma_start3A_438] : memref<6x128xi32, #tpu.memory_space<vmem>> -> memref<1x128xi32, #tpu.memory_space<vmem>>
      %dma_start3A_440 = tpu.memref_squeeze %dma_start3A_439 : memref<1x128xi32, #tpu.memory_space<vmem>> -> memref<128xi32, #tpu.memory_space<vmem>>
      %dma_start3A_441 = arith.constant 0 : i32
      %dma_start3A_442 = arith.constant 0 : i32
      %dma_start3A_443 = tpu.memref_slice %arg3[%dma_start3A_441, %dma_start3A_442] : memref<102400x16xf32, #tpu.memory_space<hbm>> -> memref<102400x16xf32, #tpu.memory_space<hbm>>
      %dma_start3A_444 = tpu.memref_slice %arg13[%dma_start3A_434] : memref<2x!tpu.dma_semaphore, #tpu.memory_space<semaphore_mem>> -> memref<1x!tpu.dma_semaphore, #tpu.memory_space<semaphore_mem>>
      %dma_start3A_445 = tpu.memref_squeeze %dma_start3A_444 : memref<1x!tpu.dma_semaphore, #tpu.memory_space<semaphore_mem>> -> memref<!tpu.dma_semaphore, #tpu.memory_space<semaphore_mem>>
      tpu.enqueue_indirect_dma source(%dma_start3A_443 : memref<102400x16xf32, #tpu.memory_space<hbm>>) target(%dma_start3A_437 : memref<128x16xf32, #tpu.memory_space<vmem>>) offsets(%dma_start3A_440 : memref<128xi32, #tpu.memory_space<vmem>>) semaphore(%dma_start3A_445 : memref<!tpu.dma_semaphore, #tpu.memory_space<semaphore_mem>>)
      %dma_start3A_446 = arith.constant 2 : i32
      %dma_start3A_447 = arith.constant 1 : i32
      %dma_start3A_448 = arith.constant 256 : i32
      %dma_start3A_449 = arith.constant 0 : i32
      %dma_start3A_450 = tpu.memref_slice %arg11[%dma_start3A_448, %dma_start3A_449] : memref<768x16xf32, #tpu.memory_space<vmem>> -> memref<128x16xf32, #tpu.memory_space<vmem>>
      %dma_start3A_451 = arith.constant 0 : i32
      %dma_start3A_452 = tpu.memref_slice %arg7[%dma_start3A_446, %dma_start3A_451] : memref<6x128xi32, #tpu.memory_space<vmem>> -> memref<1x128xi32, #tpu.memory_space<vmem>>
      %dma_start3A_453 = tpu.memref_squeeze %dma_start3A_452 : memref<1x128xi32, #tpu.memory_space<vmem>> -> memref<128xi32, #tpu.memory_space<vmem>>
      %dma_start3A_454 = arith.constant 0 : i32
      %dma_start3A_455 = arith.constant 0 : i32
      %dma_start3A_456 = tpu.memref_slice %arg3[%dma_start3A_454, %dma_start3A_455] : memref<102400x16xf32, #tpu.memory_space<hbm>> -> memref<102400x16xf32, #tpu.memory_space<hbm>>
      %dma_start3A_457 = tpu.memref_slice %arg13[%dma_start3A_447] : memref<2x!tpu.dma_semaphore, #tpu.memory_space<semaphore_mem>> -> memref<1x!tpu.dma_semaphore, #tpu.memory_space<semaphore_mem>>
      %dma_start3A_458 = tpu.memref_squeeze %dma_start3A_457 : memref<1x!tpu.dma_semaphore, #tpu.memory_space<semaphore_mem>> -> memref<!tpu.dma_semaphore, #tpu.memory_space<semaphore_mem>>
      tpu.enqueue_indirect_dma source(%dma_start3A_456 : memref<102400x16xf32, #tpu.memory_space<hbm>>) target(%dma_start3A_450 : memref<128x16xf32, #tpu.memory_space<vmem>>) offsets(%dma_start3A_453 : memref<128xi32, #tpu.memory_space<vmem>>) semaphore(%dma_start3A_458 : memref<!tpu.dma_semaphore, #tpu.memory_space<semaphore_mem>>)
      %dma_start3A_459 = arith.constant 3 : i32
      %dma_start3A_460 = arith.constant 1 : i32
      %dma_start3A_461 = arith.constant 384 : i32
      %dma_start3A_462 = arith.constant 0 : i32
      %dma_start3A_463 = tpu.memref_slice %arg11[%dma_start3A_461, %dma_start3A_462] : memref<768x16xf32, #tpu.memory_space<vmem>> -> memref<128x16xf32, #tpu.memory_space<vmem>>
      %dma_start3A_464 = arith.constant 0 : i32
      %dma_start3A_465 = tpu.memref_slice %arg7[%dma_start3A_459, %dma_start3A_464] : memref<6x128xi32, #tpu.memory_space<vmem>> -> memref<1x128xi32, #tpu.memory_space<vmem>>
      %dma_start3A_466 = tpu.memref_squeeze %dma_start3A_465 : memref<1x128xi32, #tpu.memory_space<vmem>> -> memref<128xi32, #tpu.memory_space<vmem>>
      %dma_start3A_467 = arith.constant 0 : i32
      %dma_start3A_468 = arith.constant 0 : i32
      %dma_start3A_469 = tpu.memref_slice %arg3[%dma_start3A_467, %dma_start3A_468] : memref<102400x16xf32, #tpu.memory_space<hbm>> -> memref<102400x16xf32, #tpu.memory_space<hbm>>
      %dma_start3A_470 = tpu.memref_slice %arg13[%dma_start3A_460] : memref<2x!tpu.dma_semaphore, #tpu.memory_space<semaphore_mem>> -> memref<1x!tpu.dma_semaphore, #tpu.memory_space<semaphore_mem>>
      %dma_start3A_471 = tpu.memref_squeeze %dma_start3A_470 : memref<1x!tpu.dma_semaphore, #tpu.memory_space<semaphore_mem>> -> memref<!tpu.dma_semaphore, #tpu.memory_space<semaphore_mem>>
      tpu.enqueue_indirect_dma source(%dma_start3A_469 : memref<102400x16xf32, #tpu.memory_space<hbm>>) target(%dma_start3A_463 : memref<128x16xf32, #tpu.memory_space<vmem>>) offsets(%dma_start3A_466 : memref<128xi32, #tpu.memory_space<vmem>>) semaphore(%dma_start3A_471 : memref<!tpu.dma_semaphore, #tpu.memory_space<semaphore_mem>>)
      %dma_start3A_472 = arith.constant 4 : i32
      %dma_start3A_473 = arith.constant 1 : i32
      %dma_start3A_474 = arith.constant 512 : i32
      %dma_start3A_475 = arith.constant 0 : i32
      %dma_start3A_476 = tpu.memref_slice %arg11[%dma_start3A_474, %dma_start3A_475] : memref<768x16xf32, #tpu.memory_space<vmem>> -> memref<128x16xf32, #tpu.memory_space<vmem>>
      %dma_start3A_477 = arith.constant 0 : i32
      %dma_start3A_478 = tpu.memref_slice %arg7[%dma_start3A_472, %dma_start3A_477] : memref<6x128xi32, #tpu.memory_space<vmem>> -> memref<1x128xi32, #tpu.memory_space<vmem>>
      %dma_start3A_479 = tpu.memref_squeeze %dma_start3A_478 : memref<1x128xi32, #tpu.memory_space<vmem>> -> memref<128xi32, #tpu.memory_space<vmem>>
      %dma_start3A_480 = arith.constant 0 : i32
      %dma_start3A_481 = arith.constant 0 : i32
      %dma_start3A_482 = tpu.memref_slice %arg3[%dma_start3A_480, %dma_start3A_481] : memref<102400x16xf32, #tpu.memory_space<hbm>> -> memref<102400x16xf32, #tpu.memory_space<hbm>>
      %dma_start3A_483 = tpu.memref_slice %arg13[%dma_start3A_473] : memref<2x!tpu.dma_semaphore, #tpu.memory_space<semaphore_mem>> -> memref<1x!tpu.dma_semaphore, #tpu.memory_space<semaphore_mem>>
      %dma_start3A_484 = tpu.memref_squeeze %dma_start3A_483 : memref<1x!tpu.dma_semaphore, #tpu.memory_space<semaphore_mem>> -> memref<!tpu.dma_semaphore, #tpu.memory_space<semaphore_mem>>
      tpu.enqueue_indirect_dma source(%dma_start3A_482 : memref<102400x16xf32, #tpu.memory_space<hbm>>) target(%dma_start3A_476 : memref<128x16xf32, #tpu.memory_space<vmem>>) offsets(%dma_start3A_479 : memref<128xi32, #tpu.memory_space<vmem>>) semaphore(%dma_start3A_484 : memref<!tpu.dma_semaphore, #tpu.memory_space<semaphore_mem>>)
      %dma_start3A_485 = arith.constant 5 : i32
      %dma_start3A_486 = arith.constant 1 : i32
      %dma_start3A_487 = arith.constant 640 : i32
      %dma_start3A_488 = arith.constant 0 : i32
      %dma_start3A_489 = tpu.memref_slice %arg11[%dma_start3A_487, %dma_start3A_488] : memref<768x16xf32, #tpu.memory_space<vmem>> -> memref<128x16xf32, #tpu.memory_space<vmem>>
      %dma_start3A_490 = arith.constant 0 : i32
      %dma_start3A_491 = tpu.memref_slice %arg7[%dma_start3A_485, %dma_start3A_490] : memref<6x128xi32, #tpu.memory_space<vmem>> -> memref<1x128xi32, #tpu.memory_space<vmem>>
      %dma_start3A_492 = tpu.memref_squeeze %dma_start3A_491 : memref<1x128xi32, #tpu.memory_space<vmem>> -> memref<128xi32, #tpu.memory_space<vmem>>
      %dma_start3A_493 = arith.constant 0 : i32
      %dma_start3A_494 = arith.constant 0 : i32
      %dma_start3A_495 = tpu.memref_slice %arg3[%dma_start3A_493, %dma_start3A_494] : memref<102400x16xf32, #tpu.memory_space<hbm>> -> memref<102400x16xf32, #tpu.memory_space<hbm>>
      %dma_start3A_496 = tpu.memref_slice %arg13[%dma_start3A_486] : memref<2x!tpu.dma_semaphore, #tpu.memory_space<semaphore_mem>> -> memref<1x!tpu.dma_semaphore, #tpu.memory_space<semaphore_mem>>
      %dma_start3A_497 = tpu.memref_squeeze %dma_start3A_496 : memref<1x!tpu.dma_semaphore, #tpu.memory_space<semaphore_mem>> -> memref<!tpu.dma_semaphore, #tpu.memory_space<semaphore_mem>>
      tpu.enqueue_indirect_dma source(%dma_start3A_495 : memref<102400x16xf32, #tpu.memory_space<hbm>>) target(%dma_start3A_489 : memref<128x16xf32, #tpu.memory_space<vmem>>) offsets(%dma_start3A_492 : memref<128xi32, #tpu.memory_space<vmem>>) semaphore(%dma_start3A_497 : memref<!tpu.dma_semaphore, #tpu.memory_space<semaphore_mem>>)
      %dma_wait3A_498 = arith.constant 0 : i32
      %dma_wait3A_499 = arith.constant 0 : i32
      %dma_wait3A_500 = arith.constant 0 : i32
      %dma_wait3A_501 = arith.constant 0 : i32
      %dma_wait3A_502 = tpu.memref_slice %arg10[%dma_wait3A_500, %dma_wait3A_501] : memref<768x16xf32, #tpu.memory_space<vmem>> -> memref<128x16xf32, #tpu.memory_space<vmem>>
      %dma_wait3A_503 = arith.constant 0 : i32
      %dma_wait3A_504 = tpu.memref_slice %arg8[%dma_wait3A_498, %dma_wait3A_503] : memref<6x128xi32, #tpu.memory_space<vmem>> -> memref<1x128xi32, #tpu.memory_space<vmem>>
      %dma_wait3A_505 = tpu.memref_squeeze %dma_wait3A_504 : memref<1x128xi32, #tpu.memory_space<vmem>> -> memref<128xi32, #tpu.memory_space<vmem>>
      %dma_wait3A_506 = arith.constant 0 : i32
      %dma_wait3A_507 = arith.constant 0 : i32
      %dma_wait3A_508 = tpu.memref_slice %arg5[%dma_wait3A_506, %dma_wait3A_507] : memref<102400x16xf32, #tpu.memory_space<vmem_shared>> -> memref<102400x16xf32, #tpu.memory_space<vmem_shared>>
      %dma_wait3A_509 = tpu.memref_slice %arg14[%dma_wait3A_499] : memref<2x!tpu.dma_semaphore, #tpu.memory_space<semaphore_mem>> -> memref<1x!tpu.dma_semaphore, #tpu.memory_space<semaphore_mem>>
      %dma_wait3A_510 = tpu.memref_squeeze %dma_wait3A_509 : memref<1x!tpu.dma_semaphore, #tpu.memory_space<semaphore_mem>> -> memref<!tpu.dma_semaphore, #tpu.memory_space<semaphore_mem>>
      tpu.wait_indirect_dma semaphore(%dma_wait3A_510 : memref<!tpu.dma_semaphore, #tpu.memory_space<semaphore_mem>>) src(%dma_wait3A_502 : memref<128x16xf32, #tpu.memory_space<vmem>>) dst(%dma_wait3A_508 : memref<102400x16xf32, #tpu.memory_space<vmem_shared>>)
      %dma_wait3A_511 = arith.constant 1 : i32
      %dma_wait3A_512 = arith.constant 0 : i32
      %dma_wait3A_513 = arith.constant 128 : i32
      %dma_wait3A_514 = arith.constant 0 : i32
      %dma_wait3A_515 = tpu.memref_slice %arg10[%dma_wait3A_513, %dma_wait3A_514] : memref<768x16xf32, #tpu.memory_space<vmem>> -> memref<128x16xf32, #tpu.memory_space<vmem>>
      %dma_wait3A_516 = arith.constant 0 : i32
      %dma_wait3A_517 = tpu.memref_slice %arg8[%dma_wait3A_511, %dma_wait3A_516] : memref<6x128xi32, #tpu.memory_space<vmem>> -> memref<1x128xi32, #tpu.memory_space<vmem>>
      %dma_wait3A_518 = tpu.memref_squeeze %dma_wait3A_517 : memref<1x128xi32, #tpu.memory_space<vmem>> -> memref<128xi32, #tpu.memory_space<vmem>>
      %dma_wait3A_519 = arith.constant 0 : i32
      %dma_wait3A_520 = arith.constant 0 : i32
      %dma_wait3A_521 = tpu.memref_slice %arg5[%dma_wait3A_519, %dma_wait3A_520] : memref<102400x16xf32, #tpu.memory_space<vmem_shared>> -> memref<102400x16xf32, #tpu.memory_space<vmem_shared>>
      %dma_wait3A_522 = tpu.memref_slice %arg14[%dma_wait3A_512] : memref<2x!tpu.dma_semaphore, #tpu.memory_space<semaphore_mem>> -> memref<1x!tpu.dma_semaphore, #tpu.memory_space<semaphore_mem>>
      %dma_wait3A_523 = tpu.memref_squeeze %dma_wait3A_522 : memref<1x!tpu.dma_semaphore, #tpu.memory_space<semaphore_mem>> -> memref<!tpu.dma_semaphore, #tpu.memory_space<semaphore_mem>>
      tpu.wait_indirect_dma semaphore(%dma_wait3A_523 : memref<!tpu.dma_semaphore, #tpu.memory_space<semaphore_mem>>) src(%dma_wait3A_515 : memref<128x16xf32, #tpu.memory_space<vmem>>) dst(%dma_wait3A_521 : memref<102400x16xf32, #tpu.memory_space<vmem_shared>>)
      %dma_wait3A_524 = arith.constant 2 : i32
      %dma_wait3A_525 = arith.constant 0 : i32
      %dma_wait3A_526 = arith.constant 256 : i32
      %dma_wait3A_527 = arith.constant 0 : i32
      %dma_wait3A_528 = tpu.memref_slice %arg10[%dma_wait3A_526, %dma_wait3A_527] : memref<768x16xf32, #tpu.memory_space<vmem>> -> memref<128x16xf32, #tpu.memory_space<vmem>>
      %dma_wait3A_529 = arith.constant 0 : i32
      %dma_wait3A_530 = tpu.memref_slice %arg8[%dma_wait3A_524, %dma_wait3A_529] : memref<6x128xi32, #tpu.memory_space<vmem>> -> memref<1x128xi32, #tpu.memory_space<vmem>>
      %dma_wait3A_531 = tpu.memref_squeeze %dma_wait3A_530 : memref<1x128xi32, #tpu.memory_space<vmem>> -> memref<128xi32, #tpu.memory_space<vmem>>
      %dma_wait3A_532 = arith.constant 0 : i32
      %dma_wait3A_533 = arith.constant 0 : i32
      %dma_wait3A_534 = tpu.memref_slice %arg5[%dma_wait3A_532, %dma_wait3A_533] : memref<102400x16xf32, #tpu.memory_space<vmem_shared>> -> memref<102400x16xf32, #tpu.memory_space<vmem_shared>>
      %dma_wait3A_535 = tpu.memref_slice %arg14[%dma_wait3A_525] : memref<2x!tpu.dma_semaphore, #tpu.memory_space<semaphore_mem>> -> memref<1x!tpu.dma_semaphore, #tpu.memory_space<semaphore_mem>>
      %dma_wait3A_536 = tpu.memref_squeeze %dma_wait3A_535 : memref<1x!tpu.dma_semaphore, #tpu.memory_space<semaphore_mem>> -> memref<!tpu.dma_semaphore, #tpu.memory_space<semaphore_mem>>
      tpu.wait_indirect_dma semaphore(%dma_wait3A_536 : memref<!tpu.dma_semaphore, #tpu.memory_space<semaphore_mem>>) src(%dma_wait3A_528 : memref<128x16xf32, #tpu.memory_space<vmem>>) dst(%dma_wait3A_534 : memref<102400x16xf32, #tpu.memory_space<vmem_shared>>)
      %dma_wait3A_537 = arith.constant 3 : i32
      %dma_wait3A_538 = arith.constant 0 : i32
      %dma_wait3A_539 = arith.constant 384 : i32
      %dma_wait3A_540 = arith.constant 0 : i32
      %dma_wait3A_541 = tpu.memref_slice %arg10[%dma_wait3A_539, %dma_wait3A_540] : memref<768x16xf32, #tpu.memory_space<vmem>> -> memref<128x16xf32, #tpu.memory_space<vmem>>
      %dma_wait3A_542 = arith.constant 0 : i32
      %dma_wait3A_543 = tpu.memref_slice %arg8[%dma_wait3A_537, %dma_wait3A_542] : memref<6x128xi32, #tpu.memory_space<vmem>> -> memref<1x128xi32, #tpu.memory_space<vmem>>
      %dma_wait3A_544 = tpu.memref_squeeze %dma_wait3A_543 : memref<1x128xi32, #tpu.memory_space<vmem>> -> memref<128xi32, #tpu.memory_space<vmem>>
      %dma_wait3A_545 = arith.constant 0 : i32
      %dma_wait3A_546 = arith.constant 0 : i32
      %dma_wait3A_547 = tpu.memref_slice %arg5[%dma_wait3A_545, %dma_wait3A_546] : memref<102400x16xf32, #tpu.memory_space<vmem_shared>> -> memref<102400x16xf32, #tpu.memory_space<vmem_shared>>
      %dma_wait3A_548 = tpu.memref_slice %arg14[%dma_wait3A_538] : memref<2x!tpu.dma_semaphore, #tpu.memory_space<semaphore_mem>> -> memref<1x!tpu.dma_semaphore, #tpu.memory_space<semaphore_mem>>
      %dma_wait3A_549 = tpu.memref_squeeze %dma_wait3A_548 : memref<1x!tpu.dma_semaphore, #tpu.memory_space<semaphore_mem>> -> memref<!tpu.dma_semaphore, #tpu.memory_space<semaphore_mem>>
      tpu.wait_indirect_dma semaphore(%dma_wait3A_549 : memref<!tpu.dma_semaphore, #tpu.memory_space<semaphore_mem>>) src(%dma_wait3A_541 : memref<128x16xf32, #tpu.memory_space<vmem>>) dst(%dma_wait3A_547 : memref<102400x16xf32, #tpu.memory_space<vmem_shared>>)
      %dma_wait3A_550 = arith.constant 4 : i32
      %dma_wait3A_551 = arith.constant 0 : i32
      %dma_wait3A_552 = arith.constant 512 : i32
      %dma_wait3A_553 = arith.constant 0 : i32
      %dma_wait3A_554 = tpu.memref_slice %arg10[%dma_wait3A_552, %dma_wait3A_553] : memref<768x16xf32, #tpu.memory_space<vmem>> -> memref<128x16xf32, #tpu.memory_space<vmem>>
      %dma_wait3A_555 = arith.constant 0 : i32
      %dma_wait3A_556 = tpu.memref_slice %arg8[%dma_wait3A_550, %dma_wait3A_555] : memref<6x128xi32, #tpu.memory_space<vmem>> -> memref<1x128xi32, #tpu.memory_space<vmem>>
      %dma_wait3A_557 = tpu.memref_squeeze %dma_wait3A_556 : memref<1x128xi32, #tpu.memory_space<vmem>> -> memref<128xi32, #tpu.memory_space<vmem>>
      %dma_wait3A_558 = arith.constant 0 : i32
      %dma_wait3A_559 = arith.constant 0 : i32
      %dma_wait3A_560 = tpu.memref_slice %arg5[%dma_wait3A_558, %dma_wait3A_559] : memref<102400x16xf32, #tpu.memory_space<vmem_shared>> -> memref<102400x16xf32, #tpu.memory_space<vmem_shared>>
      %dma_wait3A_561 = tpu.memref_slice %arg14[%dma_wait3A_551] : memref<2x!tpu.dma_semaphore, #tpu.memory_space<semaphore_mem>> -> memref<1x!tpu.dma_semaphore, #tpu.memory_space<semaphore_mem>>
      %dma_wait3A_562 = tpu.memref_squeeze %dma_wait3A_561 : memref<1x!tpu.dma_semaphore, #tpu.memory_space<semaphore_mem>> -> memref<!tpu.dma_semaphore, #tpu.memory_space<semaphore_mem>>
      tpu.wait_indirect_dma semaphore(%dma_wait3A_562 : memref<!tpu.dma_semaphore, #tpu.memory_space<semaphore_mem>>) src(%dma_wait3A_554 : memref<128x16xf32, #tpu.memory_space<vmem>>) dst(%dma_wait3A_560 : memref<102400x16xf32, #tpu.memory_space<vmem_shared>>)
      %dma_wait3A_563 = arith.constant 5 : i32
      %dma_wait3A_564 = arith.constant 0 : i32
      %dma_wait3A_565 = arith.constant 640 : i32
      %dma_wait3A_566 = arith.constant 0 : i32
      %dma_wait3A_567 = tpu.memref_slice %arg10[%dma_wait3A_565, %dma_wait3A_566] : memref<768x16xf32, #tpu.memory_space<vmem>> -> memref<128x16xf32, #tpu.memory_space<vmem>>
      %dma_wait3A_568 = arith.constant 0 : i32
      %dma_wait3A_569 = tpu.memref_slice %arg8[%dma_wait3A_563, %dma_wait3A_568] : memref<6x128xi32, #tpu.memory_space<vmem>> -> memref<1x128xi32, #tpu.memory_space<vmem>>
      %dma_wait3A_570 = tpu.memref_squeeze %dma_wait3A_569 : memref<1x128xi32, #tpu.memory_space<vmem>> -> memref<128xi32, #tpu.memory_space<vmem>>
      %dma_wait3A_571 = arith.constant 0 : i32
      %dma_wait3A_572 = arith.constant 0 : i32
      %dma_wait3A_573 = tpu.memref_slice %arg5[%dma_wait3A_571, %dma_wait3A_572] : memref<102400x16xf32, #tpu.memory_space<vmem_shared>> -> memref<102400x16xf32, #tpu.memory_space<vmem_shared>>
      %dma_wait3A_574 = tpu.memref_slice %arg14[%dma_wait3A_564] : memref<2x!tpu.dma_semaphore, #tpu.memory_space<semaphore_mem>> -> memref<1x!tpu.dma_semaphore, #tpu.memory_space<semaphore_mem>>
      %dma_wait3A_575 = tpu.memref_squeeze %dma_wait3A_574 : memref<1x!tpu.dma_semaphore, #tpu.memory_space<semaphore_mem>> -> memref<!tpu.dma_semaphore, #tpu.memory_space<semaphore_mem>>
      tpu.wait_indirect_dma semaphore(%dma_wait3A_575 : memref<!tpu.dma_semaphore, #tpu.memory_space<semaphore_mem>>) src(%dma_wait3A_567 : memref<128x16xf32, #tpu.memory_space<vmem>>) dst(%dma_wait3A_573 : memref<102400x16xf32, #tpu.memory_space<vmem_shared>>)
      %add3A_576 = arith.constant 1 : i32
      %add3A_577 = arith.addi %add3A_124, %add3A_576 : i32
      %lt3A = arith.constant 131 : i32
      %lt3A_578 = arith.cmpi slt, %add3A_577, %lt3A : i32
      %convert_element_type3A_579 = arith.extui %lt3A_578 : i1 to i32
      %cond3A_580 = arith.constant 0 : i32
      %cond3A_581 = arith.cmpi ne, %convert_element_type3A_579, %cond3A_580 : i32
      scf.if %cond3A_581 {
        %add3A_738 = arith.constant 2 : i32
        %add3A_739 = arith.addi %mul3A_126, %add3A_738 : i32
        %mul3A_740 = arith.constant 6 : i32
        %mul3A_741 = arith.muli %add3A_739, %mul3A_740 : i32
        %add3A_742 = arith.addi %mul3A_14, %mul3A_741 : i32
        %dma_start3A_743 = arith.constant 0 : i32
        %dma_start3A_744 = arith.constant 0 : i32
        %dma_start3A_745 = tpu.memref_slice %arg2[%add3A_742, %dma_start3A_744] : memref<100608x128xi32, #tpu.memory_space<hbm>> -> memref<6x128xi32, #tpu.memory_space<hbm>>
        %dma_start3A_746 = tpu.memref_slice %arg12[%dma_start3A_743] : memref<2x!tpu.dma_semaphore, #tpu.memory_space<semaphore_mem>> -> memref<1x!tpu.dma_semaphore, #tpu.memory_space<semaphore_mem>>
        %dma_start3A_747 = tpu.memref_squeeze %dma_start3A_746 : memref<1x!tpu.dma_semaphore, #tpu.memory_space<semaphore_mem>> -> memref<!tpu.dma_semaphore, #tpu.memory_space<semaphore_mem>>
        %dma_start3A_748 = arith.constant 0 : i32
        %dma_start3A_749 = tpu.memref_slice %arg2[%add3A_742, %dma_start3A_748] : memref<100608x128xi32, #tpu.memory_space<hbm>> -> memref<6x128xi32, #tpu.memory_space<hbm>>
        tpu.enqueue_dma source(%dma_start3A_749 : memref<6x128xi32, #tpu.memory_space<hbm>>) target(%arg6 : memref<6x128xi32, #tpu.memory_space<vmem>>) target_semaphore(%dma_start3A_747 : memref<!tpu.dma_semaphore, #tpu.memory_space<semaphore_mem>>)
        %add3A_750 = arith.constant 50304 : i32
        %add3A_751 = arith.addi %add3A_750, %add3A_742 : i32
        %dma_start3A_752 = arith.constant 0 : i32
        %dma_start3A_753 = arith.constant 0 : i32
        %dma_start3A_754 = tpu.memref_slice %arg2[%add3A_751, %dma_start3A_753] : memref<100608x128xi32, #tpu.memory_space<hbm>> -> memref<6x128xi32, #tpu.memory_space<hbm>>
        %dma_start3A_755 = tpu.memref_slice %arg12[%dma_start3A_752] : memref<2x!tpu.dma_semaphore, #tpu.memory_space<semaphore_mem>> -> memref<1x!tpu.dma_semaphore, #tpu.memory_space<semaphore_mem>>
        %dma_start3A_756 = tpu.memref_squeeze %dma_start3A_755 : memref<1x!tpu.dma_semaphore, #tpu.memory_space<semaphore_mem>> -> memref<!tpu.dma_semaphore, #tpu.memory_space<semaphore_mem>>
        %dma_start3A_757 = arith.constant 0 : i32
        %dma_start3A_758 = tpu.memref_slice %arg2[%add3A_751, %dma_start3A_757] : memref<100608x128xi32, #tpu.memory_space<hbm>> -> memref<6x128xi32, #tpu.memory_space<hbm>>
        tpu.enqueue_dma source(%dma_start3A_758 : memref<6x128xi32, #tpu.memory_space<hbm>>) target(%arg8 : memref<6x128xi32, #tpu.memory_space<vmem>>) target_semaphore(%dma_start3A_756 : memref<!tpu.dma_semaphore, #tpu.memory_space<semaphore_mem>>)
      } else {
      }
      %dma_wait3A_582 = arith.constant 0 : i32
      %dma_wait3A_583 = arith.constant 1 : i32
      %dma_wait3A_584 = arith.constant 0 : i32
      %dma_wait3A_585 = arith.constant 0 : i32
      %dma_wait3A_586 = tpu.memref_slice %arg11[%dma_wait3A_584, %dma_wait3A_585] : memref<768x16xf32, #tpu.memory_space<vmem>> -> memref<128x16xf32, #tpu.memory_space<vmem>>
      %dma_wait3A_587 = arith.constant 0 : i32
      %dma_wait3A_588 = tpu.memref_slice %arg7[%dma_wait3A_582, %dma_wait3A_587] : memref<6x128xi32, #tpu.memory_space<vmem>> -> memref<1x128xi32, #tpu.memory_space<vmem>>
      %dma_wait3A_589 = tpu.memref_squeeze %dma_wait3A_588 : memref<1x128xi32, #tpu.memory_space<vmem>> -> memref<128xi32, #tpu.memory_space<vmem>>
      %dma_wait3A_590 = arith.constant 0 : i32
      %dma_wait3A_591 = arith.constant 0 : i32
      %dma_wait3A_592 = tpu.memref_slice %arg3[%dma_wait3A_590, %dma_wait3A_591] : memref<102400x16xf32, #tpu.memory_space<hbm>> -> memref<102400x16xf32, #tpu.memory_space<hbm>>
      %dma_wait3A_593 = tpu.memref_slice %arg13[%dma_wait3A_583] : memref<2x!tpu.dma_semaphore, #tpu.memory_space<semaphore_mem>> -> memref<1x!tpu.dma_semaphore, #tpu.memory_space<semaphore_mem>>
      %dma_wait3A_594 = tpu.memref_squeeze %dma_wait3A_593 : memref<1x!tpu.dma_semaphore, #tpu.memory_space<semaphore_mem>> -> memref<!tpu.dma_semaphore, #tpu.memory_space<semaphore_mem>>
      tpu.wait_indirect_dma semaphore(%dma_wait3A_594 : memref<!tpu.dma_semaphore, #tpu.memory_space<semaphore_mem>>) src(%dma_wait3A_592 : memref<102400x16xf32, #tpu.memory_space<hbm>>) dst(%dma_wait3A_586 : memref<128x16xf32, #tpu.memory_space<vmem>>)
      %dma_wait3A_595 = arith.constant 1 : i32
      %dma_wait3A_596 = arith.constant 1 : i32
      %dma_wait3A_597 = arith.constant 128 : i32
      %dma_wait3A_598 = arith.constant 0 : i32
      %dma_wait3A_599 = tpu.memref_slice %arg11[%dma_wait3A_597, %dma_wait3A_598] : memref<768x16xf32, #tpu.memory_space<vmem>> -> memref<128x16xf32, #tpu.memory_space<vmem>>
      %dma_wait3A_600 = arith.constant 0 : i32
      %dma_wait3A_601 = tpu.memref_slice %arg7[%dma_wait3A_595, %dma_wait3A_600] : memref<6x128xi32, #tpu.memory_space<vmem>> -> memref<1x128xi32, #tpu.memory_space<vmem>>
      %dma_wait3A_602 = tpu.memref_squeeze %dma_wait3A_601 : memref<1x128xi32, #tpu.memory_space<vmem>> -> memref<128xi32, #tpu.memory_space<vmem>>
      %dma_wait3A_603 = arith.constant 0 : i32
      %dma_wait3A_604 = arith.constant 0 : i32
      %dma_wait3A_605 = tpu.memref_slice %arg3[%dma_wait3A_603, %dma_wait3A_604] : memref<102400x16xf32, #tpu.memory_space<hbm>> -> memref<102400x16xf32, #tpu.memory_space<hbm>>
      %dma_wait3A_606 = tpu.memref_slice %arg13[%dma_wait3A_596] : memref<2x!tpu.dma_semaphore, #tpu.memory_space<semaphore_mem>> -> memref<1x!tpu.dma_semaphore, #tpu.memory_space<semaphore_mem>>
      %dma_wait3A_607 = tpu.memref_squeeze %dma_wait3A_606 : memref<1x!tpu.dma_semaphore, #tpu.memory_space<semaphore_mem>> -> memref<!tpu.dma_semaphore, #tpu.memory_space<semaphore_mem>>
      tpu.wait_indirect_dma semaphore(%dma_wait3A_607 : memref<!tpu.dma_semaphore, #tpu.memory_space<semaphore_mem>>) src(%dma_wait3A_605 : memref<102400x16xf32, #tpu.memory_space<hbm>>) dst(%dma_wait3A_599 : memref<128x16xf32, #tpu.memory_space<vmem>>)
      %dma_wait3A_608 = arith.constant 2 : i32
      %dma_wait3A_609 = arith.constant 1 : i32
      %dma_wait3A_610 = arith.constant 256 : i32
      %dma_wait3A_611 = arith.constant 0 : i32
      %dma_wait3A_612 = tpu.memref_slice %arg11[%dma_wait3A_610, %dma_wait3A_611] : memref<768x16xf32, #tpu.memory_space<vmem>> -> memref<128x16xf32, #tpu.memory_space<vmem>>
      %dma_wait3A_613 = arith.constant 0 : i32
      %dma_wait3A_614 = tpu.memref_slice %arg7[%dma_wait3A_608, %dma_wait3A_613] : memref<6x128xi32, #tpu.memory_space<vmem>> -> memref<1x128xi32, #tpu.memory_space<vmem>>
      %dma_wait3A_615 = tpu.memref_squeeze %dma_wait3A_614 : memref<1x128xi32, #tpu.memory_space<vmem>> -> memref<128xi32, #tpu.memory_space<vmem>>
      %dma_wait3A_616 = arith.constant 0 : i32
      %dma_wait3A_617 = arith.constant 0 : i32
      %dma_wait3A_618 = tpu.memref_slice %arg3[%dma_wait3A_616, %dma_wait3A_617] : memref<102400x16xf32, #tpu.memory_space<hbm>> -> memref<102400x16xf32, #tpu.memory_space<hbm>>
      %dma_wait3A_619 = tpu.memref_slice %arg13[%dma_wait3A_609] : memref<2x!tpu.dma_semaphore, #tpu.memory_space<semaphore_mem>> -> memref<1x!tpu.dma_semaphore, #tpu.memory_space<semaphore_mem>>
      %dma_wait3A_620 = tpu.memref_squeeze %dma_wait3A_619 : memref<1x!tpu.dma_semaphore, #tpu.memory_space<semaphore_mem>> -> memref<!tpu.dma_semaphore, #tpu.memory_space<semaphore_mem>>
      tpu.wait_indirect_dma semaphore(%dma_wait3A_620 : memref<!tpu.dma_semaphore, #tpu.memory_space<semaphore_mem>>) src(%dma_wait3A_618 : memref<102400x16xf32, #tpu.memory_space<hbm>>) dst(%dma_wait3A_612 : memref<128x16xf32, #tpu.memory_space<vmem>>)
      %dma_wait3A_621 = arith.constant 3 : i32
      %dma_wait3A_622 = arith.constant 1 : i32
      %dma_wait3A_623 = arith.constant 384 : i32
      %dma_wait3A_624 = arith.constant 0 : i32
      %dma_wait3A_625 = tpu.memref_slice %arg11[%dma_wait3A_623, %dma_wait3A_624] : memref<768x16xf32, #tpu.memory_space<vmem>> -> memref<128x16xf32, #tpu.memory_space<vmem>>
      %dma_wait3A_626 = arith.constant 0 : i32
      %dma_wait3A_627 = tpu.memref_slice %arg7[%dma_wait3A_621, %dma_wait3A_626] : memref<6x128xi32, #tpu.memory_space<vmem>> -> memref<1x128xi32, #tpu.memory_space<vmem>>
      %dma_wait3A_628 = tpu.memref_squeeze %dma_wait3A_627 : memref<1x128xi32, #tpu.memory_space<vmem>> -> memref<128xi32, #tpu.memory_space<vmem>>
      %dma_wait3A_629 = arith.constant 0 : i32
      %dma_wait3A_630 = arith.constant 0 : i32
      %dma_wait3A_631 = tpu.memref_slice %arg3[%dma_wait3A_629, %dma_wait3A_630] : memref<102400x16xf32, #tpu.memory_space<hbm>> -> memref<102400x16xf32, #tpu.memory_space<hbm>>
      %dma_wait3A_632 = tpu.memref_slice %arg13[%dma_wait3A_622] : memref<2x!tpu.dma_semaphore, #tpu.memory_space<semaphore_mem>> -> memref<1x!tpu.dma_semaphore, #tpu.memory_space<semaphore_mem>>
      %dma_wait3A_633 = tpu.memref_squeeze %dma_wait3A_632 : memref<1x!tpu.dma_semaphore, #tpu.memory_space<semaphore_mem>> -> memref<!tpu.dma_semaphore, #tpu.memory_space<semaphore_mem>>
      tpu.wait_indirect_dma semaphore(%dma_wait3A_633 : memref<!tpu.dma_semaphore, #tpu.memory_space<semaphore_mem>>) src(%dma_wait3A_631 : memref<102400x16xf32, #tpu.memory_space<hbm>>) dst(%dma_wait3A_625 : memref<128x16xf32, #tpu.memory_space<vmem>>)
      %dma_wait3A_634 = arith.constant 4 : i32
      %dma_wait3A_635 = arith.constant 1 : i32
      %dma_wait3A_636 = arith.constant 512 : i32
      %dma_wait3A_637 = arith.constant 0 : i32
      %dma_wait3A_638 = tpu.memref_slice %arg11[%dma_wait3A_636, %dma_wait3A_637] : memref<768x16xf32, #tpu.memory_space<vmem>> -> memref<128x16xf32, #tpu.memory_space<vmem>>
      %dma_wait3A_639 = arith.constant 0 : i32
      %dma_wait3A_640 = tpu.memref_slice %arg7[%dma_wait3A_634, %dma_wait3A_639] : memref<6x128xi32, #tpu.memory_space<vmem>> -> memref<1x128xi32, #tpu.memory_space<vmem>>
      %dma_wait3A_641 = tpu.memref_squeeze %dma_wait3A_640 : memref<1x128xi32, #tpu.memory_space<vmem>> -> memref<128xi32, #tpu.memory_space<vmem>>
      %dma_wait3A_642 = arith.constant 0 : i32
      %dma_wait3A_643 = arith.constant 0 : i32
      %dma_wait3A_644 = tpu.memref_slice %arg3[%dma_wait3A_642, %dma_wait3A_643] : memref<102400x16xf32, #tpu.memory_space<hbm>> -> memref<102400x16xf32, #tpu.memory_space<hbm>>
      %dma_wait3A_645 = tpu.memref_slice %arg13[%dma_wait3A_635] : memref<2x!tpu.dma_semaphore, #tpu.memory_space<semaphore_mem>> -> memref<1x!tpu.dma_semaphore, #tpu.memory_space<semaphore_mem>>
      %dma_wait3A_646 = tpu.memref_squeeze %dma_wait3A_645 : memref<1x!tpu.dma_semaphore, #tpu.memory_space<semaphore_mem>> -> memref<!tpu.dma_semaphore, #tpu.memory_space<semaphore_mem>>
      tpu.wait_indirect_dma semaphore(%dma_wait3A_646 : memref<!tpu.dma_semaphore, #tpu.memory_space<semaphore_mem>>) src(%dma_wait3A_644 : memref<102400x16xf32, #tpu.memory_space<hbm>>) dst(%dma_wait3A_638 : memref<128x16xf32, #tpu.memory_space<vmem>>)
      %dma_wait3A_647 = arith.constant 5 : i32
      %dma_wait3A_648 = arith.constant 1 : i32
      %dma_wait3A_649 = arith.constant 640 : i32
      %dma_wait3A_650 = arith.constant 0 : i32
      %dma_wait3A_651 = tpu.memref_slice %arg11[%dma_wait3A_649, %dma_wait3A_650] : memref<768x16xf32, #tpu.memory_space<vmem>> -> memref<128x16xf32, #tpu.memory_space<vmem>>
      %dma_wait3A_652 = arith.constant 0 : i32
      %dma_wait3A_653 = tpu.memref_slice %arg7[%dma_wait3A_647, %dma_wait3A_652] : memref<6x128xi32, #tpu.memory_space<vmem>> -> memref<1x128xi32, #tpu.memory_space<vmem>>
      %dma_wait3A_654 = tpu.memref_squeeze %dma_wait3A_653 : memref<1x128xi32, #tpu.memory_space<vmem>> -> memref<128xi32, #tpu.memory_space<vmem>>
      %dma_wait3A_655 = arith.constant 0 : i32
      %dma_wait3A_656 = arith.constant 0 : i32
      %dma_wait3A_657 = tpu.memref_slice %arg3[%dma_wait3A_655, %dma_wait3A_656] : memref<102400x16xf32, #tpu.memory_space<hbm>> -> memref<102400x16xf32, #tpu.memory_space<hbm>>
      %dma_wait3A_658 = tpu.memref_slice %arg13[%dma_wait3A_648] : memref<2x!tpu.dma_semaphore, #tpu.memory_space<semaphore_mem>> -> memref<1x!tpu.dma_semaphore, #tpu.memory_space<semaphore_mem>>
      %dma_wait3A_659 = tpu.memref_squeeze %dma_wait3A_658 : memref<1x!tpu.dma_semaphore, #tpu.memory_space<semaphore_mem>> -> memref<!tpu.dma_semaphore, #tpu.memory_space<semaphore_mem>>
      tpu.wait_indirect_dma semaphore(%dma_wait3A_659 : memref<!tpu.dma_semaphore, #tpu.memory_space<semaphore_mem>>) src(%dma_wait3A_657 : memref<102400x16xf32, #tpu.memory_space<hbm>>) dst(%dma_wait3A_651 : memref<128x16xf32, #tpu.memory_space<vmem>>)
      %dma_start3A_660 = arith.constant 0 : i32
      %dma_start3A_661 = arith.constant 1 : i32
      %dma_start3A_662 = arith.constant 0 : i32
      %dma_start3A_663 = arith.constant 0 : i32
      %dma_start3A_664 = tpu.memref_slice %arg11[%dma_start3A_662, %dma_start3A_663] : memref<768x16xf32, #tpu.memory_space<vmem>> -> memref<128x16xf32, #tpu.memory_space<vmem>>
      %dma_start3A_665 = arith.constant 0 : i32
      %dma_start3A_666 = tpu.memref_slice %arg9[%dma_start3A_660, %dma_start3A_665] : memref<6x128xi32, #tpu.memory_space<vmem>> -> memref<1x128xi32, #tpu.memory_space<vmem>>
      %dma_start3A_667 = tpu.memref_squeeze %dma_start3A_666 : memref<1x128xi32, #tpu.memory_space<vmem>> -> memref<128xi32, #tpu.memory_space<vmem>>
      %dma_start3A_668 = arith.constant 0 : i32
      %dma_start3A_669 = arith.constant 0 : i32
      %dma_start3A_670 = tpu.memref_slice %arg5[%dma_start3A_668, %dma_start3A_669] : memref<102400x16xf32, #tpu.memory_space<vmem_shared>> -> memref<102400x16xf32, #tpu.memory_space<vmem_shared>>
      %dma_start3A_671 = tpu.memref_slice %arg14[%dma_start3A_661] : memref<2x!tpu.dma_semaphore, #tpu.memory_space<semaphore_mem>> -> memref<1x!tpu.dma_semaphore, #tpu.memory_space<semaphore_mem>>
      %dma_start3A_672 = tpu.memref_squeeze %dma_start3A_671 : memref<1x!tpu.dma_semaphore, #tpu.memory_space<semaphore_mem>> -> memref<!tpu.dma_semaphore, #tpu.memory_space<semaphore_mem>>
      tpu.enqueue_indirect_dma source(%dma_start3A_664 : memref<128x16xf32, #tpu.memory_space<vmem>>) target(%dma_start3A_670 : memref<102400x16xf32, #tpu.memory_space<vmem_shared>>) offsets(%dma_start3A_667 : memref<128xi32, #tpu.memory_space<vmem>>) semaphore(%dma_start3A_672 : memref<!tpu.dma_semaphore, #tpu.memory_space<semaphore_mem>>) {add = true}
      %dma_start3A_673 = arith.constant 1 : i32
      %dma_start3A_674 = arith.constant 1 : i32
      %dma_start3A_675 = arith.constant 128 : i32
      %dma_start3A_676 = arith.constant 0 : i32
      %dma_start3A_677 = tpu.memref_slice %arg11[%dma_start3A_675, %dma_start3A_676] : memref<768x16xf32, #tpu.memory_space<vmem>> -> memref<128x16xf32, #tpu.memory_space<vmem>>
      %dma_start3A_678 = arith.constant 0 : i32
      %dma_start3A_679 = tpu.memref_slice %arg9[%dma_start3A_673, %dma_start3A_678] : memref<6x128xi32, #tpu.memory_space<vmem>> -> memref<1x128xi32, #tpu.memory_space<vmem>>
      %dma_start3A_680 = tpu.memref_squeeze %dma_start3A_679 : memref<1x128xi32, #tpu.memory_space<vmem>> -> memref<128xi32, #tpu.memory_space<vmem>>
      %dma_start3A_681 = arith.constant 0 : i32
      %dma_start3A_682 = arith.constant 0 : i32
      %dma_start3A_683 = tpu.memref_slice %arg5[%dma_start3A_681, %dma_start3A_682] : memref<102400x16xf32, #tpu.memory_space<vmem_shared>> -> memref<102400x16xf32, #tpu.memory_space<vmem_shared>>
      %dma_start3A_684 = tpu.memref_slice %arg14[%dma_start3A_674] : memref<2x!tpu.dma_semaphore, #tpu.memory_space<semaphore_mem>> -> memref<1x!tpu.dma_semaphore, #tpu.memory_space<semaphore_mem>>
      %dma_start3A_685 = tpu.memref_squeeze %dma_start3A_684 : memref<1x!tpu.dma_semaphore, #tpu.memory_space<semaphore_mem>> -> memref<!tpu.dma_semaphore, #tpu.memory_space<semaphore_mem>>
      tpu.enqueue_indirect_dma source(%dma_start3A_677 : memref<128x16xf32, #tpu.memory_space<vmem>>) target(%dma_start3A_683 : memref<102400x16xf32, #tpu.memory_space<vmem_shared>>) offsets(%dma_start3A_680 : memref<128xi32, #tpu.memory_space<vmem>>) semaphore(%dma_start3A_685 : memref<!tpu.dma_semaphore, #tpu.memory_space<semaphore_mem>>) {add = true}
      %dma_start3A_686 = arith.constant 2 : i32
      %dma_start3A_687 = arith.constant 1 : i32
      %dma_start3A_688 = arith.constant 256 : i32
      %dma_start3A_689 = arith.constant 0 : i32
      %dma_start3A_690 = tpu.memref_slice %arg11[%dma_start3A_688, %dma_start3A_689] : memref<768x16xf32, #tpu.memory_space<vmem>> -> memref<128x16xf32, #tpu.memory_space<vmem>>
      %dma_start3A_691 = arith.constant 0 : i32
      %dma_start3A_692 = tpu.memref_slice %arg9[%dma_start3A_686, %dma_start3A_691] : memref<6x128xi32, #tpu.memory_space<vmem>> -> memref<1x128xi32, #tpu.memory_space<vmem>>
      %dma_start3A_693 = tpu.memref_squeeze %dma_start3A_692 : memref<1x128xi32, #tpu.memory_space<vmem>> -> memref<128xi32, #tpu.memory_space<vmem>>
      %dma_start3A_694 = arith.constant 0 : i32
      %dma_start3A_695 = arith.constant 0 : i32
      %dma_start3A_696 = tpu.memref_slice %arg5[%dma_start3A_694, %dma_start3A_695] : memref<102400x16xf32, #tpu.memory_space<vmem_shared>> -> memref<102400x16xf32, #tpu.memory_space<vmem_shared>>
      %dma_start3A_697 = tpu.memref_slice %arg14[%dma_start3A_687] : memref<2x!tpu.dma_semaphore, #tpu.memory_space<semaphore_mem>> -> memref<1x!tpu.dma_semaphore, #tpu.memory_space<semaphore_mem>>
      %dma_start3A_698 = tpu.memref_squeeze %dma_start3A_697 : memref<1x!tpu.dma_semaphore, #tpu.memory_space<semaphore_mem>> -> memref<!tpu.dma_semaphore, #tpu.memory_space<semaphore_mem>>
      tpu.enqueue_indirect_dma source(%dma_start3A_690 : memref<128x16xf32, #tpu.memory_space<vmem>>) target(%dma_start3A_696 : memref<102400x16xf32, #tpu.memory_space<vmem_shared>>) offsets(%dma_start3A_693 : memref<128xi32, #tpu.memory_space<vmem>>) semaphore(%dma_start3A_698 : memref<!tpu.dma_semaphore, #tpu.memory_space<semaphore_mem>>) {add = true}
      %dma_start3A_699 = arith.constant 3 : i32
      %dma_start3A_700 = arith.constant 1 : i32
      %dma_start3A_701 = arith.constant 384 : i32
      %dma_start3A_702 = arith.constant 0 : i32
      %dma_start3A_703 = tpu.memref_slice %arg11[%dma_start3A_701, %dma_start3A_702] : memref<768x16xf32, #tpu.memory_space<vmem>> -> memref<128x16xf32, #tpu.memory_space<vmem>>
      %dma_start3A_704 = arith.constant 0 : i32
      %dma_start3A_705 = tpu.memref_slice %arg9[%dma_start3A_699, %dma_start3A_704] : memref<6x128xi32, #tpu.memory_space<vmem>> -> memref<1x128xi32, #tpu.memory_space<vmem>>
      %dma_start3A_706 = tpu.memref_squeeze %dma_start3A_705 : memref<1x128xi32, #tpu.memory_space<vmem>> -> memref<128xi32, #tpu.memory_space<vmem>>
      %dma_start3A_707 = arith.constant 0 : i32
      %dma_start3A_708 = arith.constant 0 : i32
      %dma_start3A_709 = tpu.memref_slice %arg5[%dma_start3A_707, %dma_start3A_708] : memref<102400x16xf32, #tpu.memory_space<vmem_shared>> -> memref<102400x16xf32, #tpu.memory_space<vmem_shared>>
      %dma_start3A_710 = tpu.memref_slice %arg14[%dma_start3A_700] : memref<2x!tpu.dma_semaphore, #tpu.memory_space<semaphore_mem>> -> memref<1x!tpu.dma_semaphore, #tpu.memory_space<semaphore_mem>>
      %dma_start3A_711 = tpu.memref_squeeze %dma_start3A_710 : memref<1x!tpu.dma_semaphore, #tpu.memory_space<semaphore_mem>> -> memref<!tpu.dma_semaphore, #tpu.memory_space<semaphore_mem>>
      tpu.enqueue_indirect_dma source(%dma_start3A_703 : memref<128x16xf32, #tpu.memory_space<vmem>>) target(%dma_start3A_709 : memref<102400x16xf32, #tpu.memory_space<vmem_shared>>) offsets(%dma_start3A_706 : memref<128xi32, #tpu.memory_space<vmem>>) semaphore(%dma_start3A_711 : memref<!tpu.dma_semaphore, #tpu.memory_space<semaphore_mem>>) {add = true}
      %dma_start3A_712 = arith.constant 4 : i32
      %dma_start3A_713 = arith.constant 1 : i32
      %dma_start3A_714 = arith.constant 512 : i32
      %dma_start3A_715 = arith.constant 0 : i32
      %dma_start3A_716 = tpu.memref_slice %arg11[%dma_start3A_714, %dma_start3A_715] : memref<768x16xf32, #tpu.memory_space<vmem>> -> memref<128x16xf32, #tpu.memory_space<vmem>>
      %dma_start3A_717 = arith.constant 0 : i32
      %dma_start3A_718 = tpu.memref_slice %arg9[%dma_start3A_712, %dma_start3A_717] : memref<6x128xi32, #tpu.memory_space<vmem>> -> memref<1x128xi32, #tpu.memory_space<vmem>>
      %dma_start3A_719 = tpu.memref_squeeze %dma_start3A_718 : memref<1x128xi32, #tpu.memory_space<vmem>> -> memref<128xi32, #tpu.memory_space<vmem>>
      %dma_start3A_720 = arith.constant 0 : i32
      %dma_start3A_721 = arith.constant 0 : i32
      %dma_start3A_722 = tpu.memref_slice %arg5[%dma_start3A_720, %dma_start3A_721] : memref<102400x16xf32, #tpu.memory_space<vmem_shared>> -> memref<102400x16xf32, #tpu.memory_space<vmem_shared>>
      %dma_start3A_723 = tpu.memref_slice %arg14[%dma_start3A_713] : memref<2x!tpu.dma_semaphore, #tpu.memory_space<semaphore_mem>> -> memref<1x!tpu.dma_semaphore, #tpu.memory_space<semaphore_mem>>
      %dma_start3A_724 = tpu.memref_squeeze %dma_start3A_723 : memref<1x!tpu.dma_semaphore, #tpu.memory_space<semaphore_mem>> -> memref<!tpu.dma_semaphore, #tpu.memory_space<semaphore_mem>>
      tpu.enqueue_indirect_dma source(%dma_start3A_716 : memref<128x16xf32, #tpu.memory_space<vmem>>) target(%dma_start3A_722 : memref<102400x16xf32, #tpu.memory_space<vmem_shared>>) offsets(%dma_start3A_719 : memref<128xi32, #tpu.memory_space<vmem>>) semaphore(%dma_start3A_724 : memref<!tpu.dma_semaphore, #tpu.memory_space<semaphore_mem>>) {add = true}
      %dma_start3A_725 = arith.constant 5 : i32
      %dma_start3A_726 = arith.constant 1 : i32
      %dma_start3A_727 = arith.constant 640 : i32
      %dma_start3A_728 = arith.constant 0 : i32
      %dma_start3A_729 = tpu.memref_slice %arg11[%dma_start3A_727, %dma_start3A_728] : memref<768x16xf32, #tpu.memory_space<vmem>> -> memref<128x16xf32, #tpu.memory_space<vmem>>
      %dma_start3A_730 = arith.constant 0 : i32
      %dma_start3A_731 = tpu.memref_slice %arg9[%dma_start3A_725, %dma_start3A_730] : memref<6x128xi32, #tpu.memory_space<vmem>> -> memref<1x128xi32, #tpu.memory_space<vmem>>
      %dma_start3A_732 = tpu.memref_squeeze %dma_start3A_731 : memref<1x128xi32, #tpu.memory_space<vmem>> -> memref<128xi32, #tpu.memory_space<vmem>>
      %dma_start3A_733 = arith.constant 0 : i32
      %dma_start3A_734 = arith.constant 0 : i32
      %dma_start3A_735 = tpu.memref_slice %arg5[%dma_start3A_733, %dma_start3A_734] : memref<102400x16xf32, #tpu.memory_space<vmem_shared>> -> memref<102400x16xf32, #tpu.memory_space<vmem_shared>>
      %dma_start3A_736 = tpu.memref_slice %arg14[%dma_start3A_726] : memref<2x!tpu.dma_semaphore, #tpu.memory_space<semaphore_mem>> -> memref<1x!tpu.dma_semaphore, #tpu.memory_space<semaphore_mem>>
      %dma_start3A_737 = tpu.memref_squeeze %dma_start3A_736 : memref<1x!tpu.dma_semaphore, #tpu.memory_space<semaphore_mem>> -> memref<!tpu.dma_semaphore, #tpu.memory_space<semaphore_mem>>
      tpu.enqueue_indirect_dma source(%dma_start3A_729 : memref<128x16xf32, #tpu.memory_space<vmem>>) target(%dma_start3A_735 : memref<102400x16xf32, #tpu.memory_space<vmem_shared>>) offsets(%dma_start3A_732 : memref<128xi32, #tpu.memory_space<vmem>>) semaphore(%dma_start3A_737 : memref<!tpu.dma_semaphore, #tpu.memory_space<semaphore_mem>>) {add = true}
    }
    %scan3A_36 = arith.constant 131 : i32
    %dma_wait3A = arith.constant 0 : i32
    %dma_wait3A_37 = arith.constant 1 : i32
    %dma_wait3A_38 = arith.constant 0 : i32
    %dma_wait3A_39 = arith.constant 0 : i32
    %dma_wait3A_40 = tpu.memref_slice %arg11[%dma_wait3A_38, %dma_wait3A_39] : memref<768x16xf32, #tpu.memory_space<vmem>> -> memref<128x16xf32, #tpu.memory_space<vmem>>
    %dma_wait3A_41 = arith.constant 0 : i32
    %dma_wait3A_42 = tpu.memref_slice %arg9[%dma_wait3A, %dma_wait3A_41] : memref<6x128xi32, #tpu.memory_space<vmem>> -> memref<1x128xi32, #tpu.memory_space<vmem>>
    %dma_wait3A_43 = tpu.memref_squeeze %dma_wait3A_42 : memref<1x128xi32, #tpu.memory_space<vmem>> -> memref<128xi32, #tpu.memory_space<vmem>>
    %dma_wait3A_44 = arith.constant 0 : i32
    %dma_wait3A_45 = arith.constant 0 : i32
    %dma_wait3A_46 = tpu.memref_slice %arg5[%dma_wait3A_44, %dma_wait3A_45] : memref<102400x16xf32, #tpu.memory_space<vmem_shared>> -> memref<102400x16xf32, #tpu.memory_space<vmem_shared>>
    %dma_wait3A_47 = tpu.memref_slice %arg14[%dma_wait3A_37] : memref<2x!tpu.dma_semaphore, #tpu.memory_space<semaphore_mem>> -> memref<1x!tpu.dma_semaphore, #tpu.memory_space<semaphore_mem>>
    %dma_wait3A_48 = tpu.memref_squeeze %dma_wait3A_47 : memref<1x!tpu.dma_semaphore, #tpu.memory_space<semaphore_mem>> -> memref<!tpu.dma_semaphore, #tpu.memory_space<semaphore_mem>>
    tpu.wait_indirect_dma semaphore(%dma_wait3A_48 : memref<!tpu.dma_semaphore, #tpu.memory_space<semaphore_mem>>) src(%dma_wait3A_40 : memref<128x16xf32, #tpu.memory_space<vmem>>) dst(%dma_wait3A_46 : memref<102400x16xf32, #tpu.memory_space<vmem_shared>>)
    %dma_wait3A_49 = arith.constant 1 : i32
    %dma_wait3A_50 = arith.constant 1 : i32
    %dma_wait3A_51 = arith.constant 128 : i32
    %dma_wait3A_52 = arith.constant 0 : i32
    %dma_wait3A_53 = tpu.memref_slice %arg11[%dma_wait3A_51, %dma_wait3A_52] : memref<768x16xf32, #tpu.memory_space<vmem>> -> memref<128x16xf32, #tpu.memory_space<vmem>>
    %dma_wait3A_54 = arith.constant 0 : i32
    %dma_wait3A_55 = tpu.memref_slice %arg9[%dma_wait3A_49, %dma_wait3A_54] : memref<6x128xi32, #tpu.memory_space<vmem>> -> memref<1x128xi32, #tpu.memory_space<vmem>>
    %dma_wait3A_56 = tpu.memref_squeeze %dma_wait3A_55 : memref<1x128xi32, #tpu.memory_space<vmem>> -> memref<128xi32, #tpu.memory_space<vmem>>
    %dma_wait3A_57 = arith.constant 0 : i32
    %dma_wait3A_58 = arith.constant 0 : i32
    %dma_wait3A_59 = tpu.memref_slice %arg5[%dma_wait3A_57, %dma_wait3A_58] : memref<102400x16xf32, #tpu.memory_space<vmem_shared>> -> memref<102400x16xf32, #tpu.memory_space<vmem_shared>>
    %dma_wait3A_60 = tpu.memref_slice %arg14[%dma_wait3A_50] : memref<2x!tpu.dma_semaphore, #tpu.memory_space<semaphore_mem>> -> memref<1x!tpu.dma_semaphore, #tpu.memory_space<semaphore_mem>>
    %dma_wait3A_61 = tpu.memref_squeeze %dma_wait3A_60 : memref<1x!tpu.dma_semaphore, #tpu.memory_space<semaphore_mem>> -> memref<!tpu.dma_semaphore, #tpu.memory_space<semaphore_mem>>
    tpu.wait_indirect_dma semaphore(%dma_wait3A_61 : memref<!tpu.dma_semaphore, #tpu.memory_space<semaphore_mem>>) src(%dma_wait3A_53 : memref<128x16xf32, #tpu.memory_space<vmem>>) dst(%dma_wait3A_59 : memref<102400x16xf32, #tpu.memory_space<vmem_shared>>)
    %dma_wait3A_62 = arith.constant 2 : i32
    %dma_wait3A_63 = arith.constant 1 : i32
    %dma_wait3A_64 = arith.constant 256 : i32
    %dma_wait3A_65 = arith.constant 0 : i32
    %dma_wait3A_66 = tpu.memref_slice %arg11[%dma_wait3A_64, %dma_wait3A_65] : memref<768x16xf32, #tpu.memory_space<vmem>> -> memref<128x16xf32, #tpu.memory_space<vmem>>
    %dma_wait3A_67 = arith.constant 0 : i32
    %dma_wait3A_68 = tpu.memref_slice %arg9[%dma_wait3A_62, %dma_wait3A_67] : memref<6x128xi32, #tpu.memory_space<vmem>> -> memref<1x128xi32, #tpu.memory_space<vmem>>
    %dma_wait3A_69 = tpu.memref_squeeze %dma_wait3A_68 : memref<1x128xi32, #tpu.memory_space<vmem>> -> memref<128xi32, #tpu.memory_space<vmem>>
    %dma_wait3A_70 = arith.constant 0 : i32
    %dma_wait3A_71 = arith.constant 0 : i32
    %dma_wait3A_72 = tpu.memref_slice %arg5[%dma_wait3A_70, %dma_wait3A_71] : memref<102400x16xf32, #tpu.memory_space<vmem_shared>> -> memref<102400x16xf32, #tpu.memory_space<vmem_shared>>
    %dma_wait3A_73 = tpu.memref_slice %arg14[%dma_wait3A_63] : memref<2x!tpu.dma_semaphore, #tpu.memory_space<semaphore_mem>> -> memref<1x!tpu.dma_semaphore, #tpu.memory_space<semaphore_mem>>
    %dma_wait3A_74 = tpu.memref_squeeze %dma_wait3A_73 : memref<1x!tpu.dma_semaphore, #tpu.memory_space<semaphore_mem>> -> memref<!tpu.dma_semaphore, #tpu.memory_space<semaphore_mem>>
    tpu.wait_indirect_dma semaphore(%dma_wait3A_74 : memref<!tpu.dma_semaphore, #tpu.memory_space<semaphore_mem>>) src(%dma_wait3A_66 : memref<128x16xf32, #tpu.memory_space<vmem>>) dst(%dma_wait3A_72 : memref<102400x16xf32, #tpu.memory_space<vmem_shared>>)
    %dma_wait3A_75 = arith.constant 3 : i32
    %dma_wait3A_76 = arith.constant 1 : i32
    %dma_wait3A_77 = arith.constant 384 : i32
    %dma_wait3A_78 = arith.constant 0 : i32
    %dma_wait3A_79 = tpu.memref_slice %arg11[%dma_wait3A_77, %dma_wait3A_78] : memref<768x16xf32, #tpu.memory_space<vmem>> -> memref<128x16xf32, #tpu.memory_space<vmem>>
    %dma_wait3A_80 = arith.constant 0 : i32
    %dma_wait3A_81 = tpu.memref_slice %arg9[%dma_wait3A_75, %dma_wait3A_80] : memref<6x128xi32, #tpu.memory_space<vmem>> -> memref<1x128xi32, #tpu.memory_space<vmem>>
    %dma_wait3A_82 = tpu.memref_squeeze %dma_wait3A_81 : memref<1x128xi32, #tpu.memory_space<vmem>> -> memref<128xi32, #tpu.memory_space<vmem>>
    %dma_wait3A_83 = arith.constant 0 : i32
    %dma_wait3A_84 = arith.constant 0 : i32
    %dma_wait3A_85 = tpu.memref_slice %arg5[%dma_wait3A_83, %dma_wait3A_84] : memref<102400x16xf32, #tpu.memory_space<vmem_shared>> -> memref<102400x16xf32, #tpu.memory_space<vmem_shared>>
    %dma_wait3A_86 = tpu.memref_slice %arg14[%dma_wait3A_76] : memref<2x!tpu.dma_semaphore, #tpu.memory_space<semaphore_mem>> -> memref<1x!tpu.dma_semaphore, #tpu.memory_space<semaphore_mem>>
    %dma_wait3A_87 = tpu.memref_squeeze %dma_wait3A_86 : memref<1x!tpu.dma_semaphore, #tpu.memory_space<semaphore_mem>> -> memref<!tpu.dma_semaphore, #tpu.memory_space<semaphore_mem>>
    tpu.wait_indirect_dma semaphore(%dma_wait3A_87 : memref<!tpu.dma_semaphore, #tpu.memory_space<semaphore_mem>>) src(%dma_wait3A_79 : memref<128x16xf32, #tpu.memory_space<vmem>>) dst(%dma_wait3A_85 : memref<102400x16xf32, #tpu.memory_space<vmem_shared>>)
    %dma_wait3A_88 = arith.constant 4 : i32
    %dma_wait3A_89 = arith.constant 1 : i32
    %dma_wait3A_90 = arith.constant 512 : i32
    %dma_wait3A_91 = arith.constant 0 : i32
    %dma_wait3A_92 = tpu.memref_slice %arg11[%dma_wait3A_90, %dma_wait3A_91] : memref<768x16xf32, #tpu.memory_space<vmem>> -> memref<128x16xf32, #tpu.memory_space<vmem>>
    %dma_wait3A_93 = arith.constant 0 : i32
    %dma_wait3A_94 = tpu.memref_slice %arg9[%dma_wait3A_88, %dma_wait3A_93] : memref<6x128xi32, #tpu.memory_space<vmem>> -> memref<1x128xi32, #tpu.memory_space<vmem>>
    %dma_wait3A_95 = tpu.memref_squeeze %dma_wait3A_94 : memref<1x128xi32, #tpu.memory_space<vmem>> -> memref<128xi32, #tpu.memory_space<vmem>>
    %dma_wait3A_96 = arith.constant 0 : i32
    %dma_wait3A_97 = arith.constant 0 : i32
    %dma_wait3A_98 = tpu.memref_slice %arg5[%dma_wait3A_96, %dma_wait3A_97] : memref<102400x16xf32, #tpu.memory_space<vmem_shared>> -> memref<102400x16xf32, #tpu.memory_space<vmem_shared>>
    %dma_wait3A_99 = tpu.memref_slice %arg14[%dma_wait3A_89] : memref<2x!tpu.dma_semaphore, #tpu.memory_space<semaphore_mem>> -> memref<1x!tpu.dma_semaphore, #tpu.memory_space<semaphore_mem>>
    %dma_wait3A_100 = tpu.memref_squeeze %dma_wait3A_99 : memref<1x!tpu.dma_semaphore, #tpu.memory_space<semaphore_mem>> -> memref<!tpu.dma_semaphore, #tpu.memory_space<semaphore_mem>>
    tpu.wait_indirect_dma semaphore(%dma_wait3A_100 : memref<!tpu.dma_semaphore, #tpu.memory_space<semaphore_mem>>) src(%dma_wait3A_92 : memref<128x16xf32, #tpu.memory_space<vmem>>) dst(%dma_wait3A_98 : memref<102400x16xf32, #tpu.memory_space<vmem_shared>>)
    %dma_wait3A_101 = arith.constant 5 : i32
    %dma_wait3A_102 = arith.constant 1 : i32
    %dma_wait3A_103 = arith.constant 640 : i32
    %dma_wait3A_104 = arith.constant 0 : i32
    %dma_wait3A_105 = tpu.memref_slice %arg11[%dma_wait3A_103, %dma_wait3A_104] : memref<768x16xf32, #tpu.memory_space<vmem>> -> memref<128x16xf32, #tpu.memory_space<vmem>>
    %dma_wait3A_106 = arith.constant 0 : i32
    %dma_wait3A_107 = tpu.memref_slice %arg9[%dma_wait3A_101, %dma_wait3A_106] : memref<6x128xi32, #tpu.memory_space<vmem>> -> memref<1x128xi32, #tpu.memory_space<vmem>>
    %dma_wait3A_108 = tpu.memref_squeeze %dma_wait3A_107 : memref<1x128xi32, #tpu.memory_space<vmem>> -> memref<128xi32, #tpu.memory_space<vmem>>
    %dma_wait3A_109 = arith.constant 0 : i32
    %dma_wait3A_110 = arith.constant 0 : i32
    %dma_wait3A_111 = tpu.memref_slice %arg5[%dma_wait3A_109, %dma_wait3A_110] : memref<102400x16xf32, #tpu.memory_space<vmem_shared>> -> memref<102400x16xf32, #tpu.memory_space<vmem_shared>>
    %dma_wait3A_112 = tpu.memref_slice %arg14[%dma_wait3A_102] : memref<2x!tpu.dma_semaphore, #tpu.memory_space<semaphore_mem>> -> memref<1x!tpu.dma_semaphore, #tpu.memory_space<semaphore_mem>>
    %dma_wait3A_113 = tpu.memref_squeeze %dma_wait3A_112 : memref<1x!tpu.dma_semaphore, #tpu.memory_space<semaphore_mem>> -> memref<!tpu.dma_semaphore, #tpu.memory_space<semaphore_mem>>
    tpu.wait_indirect_dma semaphore(%dma_wait3A_113 : memref<!tpu.dma_semaphore, #tpu.memory_space<semaphore_mem>>) src(%dma_wait3A_105 : memref<128x16xf32, #tpu.memory_space<vmem>>) dst(%dma_wait3A_111 : memref<102400x16xf32, #tpu.memory_space<vmem_shared>>)
    %barrier3A_114 = arith.constant 0 : index
    tpu.barrier barrier_id(%barrier3A_114)
    %scan3A_115 = arith.constant 0 : i32
    %scan3A_116 = arith.constant 10 : i32
    %scan3A_117 = arith.addi %scan3A_115, %scan3A_116 : i32
    %scan3A_118 = arith.constant 1 : i32
    scf.for %scan3A_120 = %scan3A_115 to %scan3A_117 step %scan3A_118  : i32 {
      %mul3A_121 = arith.constant 1 : i32
      %mul3A_122 = arith.muli %scan3A_120, %mul3A_121 : i32
      %add3A_123 = arith.constant 0 : i32
      %add3A_124 = arith.addi %add3A_123, %mul3A_122 : i32
      %mul3A_125 = arith.constant 640 : i32
      %mul3A_126 = arith.muli %add3A_124, %mul3A_125 : i32
      %add3A_127 = arith.addi %mul3A_7, %mul3A_126 : i32
      "tpu.region"() ({
        %run_scoped3A = tpu.sem_alloc : memref<!tpu.dma_semaphore, #tpu.memory_space<semaphore_mem>>
        %dma_start3A_128 = arith.constant 0 : i32
        %dma_start3A_129 = arith.constant 0 : i32
        %dma_start3A_130 = tpu.memref_slice %arg10[%dma_start3A_128, %dma_start3A_129] : memref<768x16xf32, #tpu.memory_space<vmem>> -> memref<640x16xf32, #tpu.memory_space<vmem>>
        %dma_start3A_131 = arith.constant 0 : i32
        %dma_start3A_132 = tpu.memref_slice %arg5[%add3A_127, %dma_start3A_131] : memref<102400x16xf32, #tpu.memory_space<vmem_shared>> -> memref<640x16xf32, #tpu.memory_space<vmem_shared>>
        %dma_start3A_133 = arith.constant 0 : i32
        %dma_start3A_134 = arith.constant 0 : i32
        %dma_start3A_135 = tpu.memref_slice %arg10[%dma_start3A_133, %dma_start3A_134] : memref<768x16xf32, #tpu.memory_space<vmem>> -> memref<640x16xf32, #tpu.memory_space<vmem>>
        %dma_start3A_136 = arith.constant 0 : i32
        %dma_start3A_137 = tpu.memref_slice %arg5[%add3A_127, %dma_start3A_136] : memref<102400x16xf32, #tpu.memory_space<vmem_shared>> -> memref<640x16xf32, #tpu.memory_space<vmem_shared>>
        tpu.enqueue_dma source(%dma_start3A_137 : memref<640x16xf32, #tpu.memory_space<vmem_shared>>) target(%dma_start3A_135 : memref<640x16xf32, #tpu.memory_space<vmem>>) target_semaphore(%run_scoped3A : memref<!tpu.dma_semaphore, #tpu.memory_space<semaphore_mem>>)
        %dma_wait3A_138 = arith.constant 0 : i32
        %dma_wait3A_139 = arith.constant 0 : i32
        %dma_wait3A_140 = tpu.memref_slice %arg10[%dma_wait3A_138, %dma_wait3A_139] : memref<768x16xf32, #tpu.memory_space<vmem>> -> memref<640x16xf32, #tpu.memory_space<vmem>>
        %dma_wait3A_141 = arith.constant 0 : i32
        %dma_wait3A_142 = tpu.memref_slice %arg5[%add3A_127, %dma_wait3A_141] : memref<102400x16xf32, #tpu.memory_space<vmem_shared>> -> memref<640x16xf32, #tpu.memory_space<vmem_shared>>
        %dma_wait3A_143 = arith.constant 0 : i32
        %dma_wait3A_144 = arith.constant 0 : i32
        %dma_wait3A_145 = tpu.memref_slice %arg10[%dma_wait3A_143, %dma_wait3A_144] : memref<768x16xf32, #tpu.memory_space<vmem>> -> memref<640x16xf32, #tpu.memory_space<vmem>>
        %dma_wait3A_146 = arith.constant 0 : i32
        %dma_wait3A_147 = tpu.memref_slice %arg5[%add3A_127, %dma_wait3A_146] : memref<102400x16xf32, #tpu.memory_space<vmem_shared>> -> memref<640x16xf32, #tpu.memory_space<vmem_shared>>
        tpu.wait_dma2 semaphore(%run_scoped3A : memref<!tpu.dma_semaphore, #tpu.memory_space<semaphore_mem>>) src(%dma_wait3A_147 : memref<640x16xf32, #tpu.memory_space<vmem_shared>>) dst(%dma_wait3A_145 : memref<640x16xf32, #tpu.memory_space<vmem>>)
        tpu.yield
      }) : () -> ()
      "tpu.region"() ({
        %run_scoped3A = tpu.sem_alloc : memref<!tpu.dma_semaphore, #tpu.memory_space<semaphore_mem>>
        %dma_start3A_128 = arith.constant 0 : i32
        %dma_start3A_129 = arith.constant 0 : i32
        %dma_start3A_130 = tpu.memref_slice %arg10[%dma_start3A_128, %dma_start3A_129] : memref<768x16xf32, #tpu.memory_space<vmem>> -> memref<640x16xf32, #tpu.memory_space<vmem>>
        %dma_start3A_131 = arith.constant 0 : i32
        %dma_start3A_132 = tpu.memref_slice %arg4[%arg0, %add3A_127, %dma_start3A_131] : memref<2x102400x16xf32, #tpu.memory_space<hbm>> -> memref<1x640x16xf32, #tpu.memory_space<hbm>>
        %dma_start3A_133 = tpu.memref_squeeze %dma_start3A_132 : memref<1x640x16xf32, #tpu.memory_space<hbm>> -> memref<640x16xf32, #tpu.memory_space<hbm>>
        %dma_start3A_134 = arith.constant 0 : i32
        %dma_start3A_135 = tpu.memref_slice %arg4[%arg0, %add3A_127, %dma_start3A_134] : memref<2x102400x16xf32, #tpu.memory_space<hbm>> -> memref<1x640x16xf32, #tpu.memory_space<hbm>>
        %dma_start3A_136 = tpu.memref_squeeze %dma_start3A_135 : memref<1x640x16xf32, #tpu.memory_space<hbm>> -> memref<640x16xf32, #tpu.memory_space<hbm>>
        %dma_start3A_137 = arith.constant 0 : i32
        %dma_start3A_138 = arith.constant 0 : i32
        %dma_start3A_139 = tpu.memref_slice %arg10[%dma_start3A_137, %dma_start3A_138] : memref<768x16xf32, #tpu.memory_space<vmem>> -> memref<640x16xf32, #tpu.memory_space<vmem>>
        tpu.enqueue_dma source(%dma_start3A_139 : memref<640x16xf32, #tpu.memory_space<vmem>>) target(%dma_start3A_136 : memref<640x16xf32, #tpu.memory_space<hbm>>) target_semaphore(%run_scoped3A : memref<!tpu.dma_semaphore, #tpu.memory_space<semaphore_mem>>)
        %dma_wait3A_140 = arith.constant 0 : i32
        %dma_wait3A_141 = arith.constant 0 : i32
        %dma_wait3A_142 = tpu.memref_slice %arg10[%dma_wait3A_140, %dma_wait3A_141] : memref<768x16xf32, #tpu.memory_space<vmem>> -> memref<640x16xf32, #tpu.memory_space<vmem>>
        %dma_wait3A_143 = arith.constant 0 : i32
        %dma_wait3A_144 = tpu.memref_slice %arg4[%arg0, %add3A_127, %dma_wait3A_143] : memref<2x102400x16xf32, #tpu.memory_space<hbm>> -> memref<1x640x16xf32, #tpu.memory_space<hbm>>
        %dma_wait3A_145 = tpu.memref_squeeze %dma_wait3A_144 : memref<1x640x16xf32, #tpu.memory_space<hbm>> -> memref<640x16xf32, #tpu.memory_space<hbm>>
        %dma_wait3A_146 = arith.constant 0 : i32
        %dma_wait3A_147 = tpu.memref_slice %arg4[%arg0, %add3A_127, %dma_wait3A_146] : memref<2x102400x16xf32, #tpu.memory_space<hbm>> -> memref<1x640x16xf32, #tpu.memory_space<hbm>>
        %dma_wait3A_148 = tpu.memref_squeeze %dma_wait3A_147 : memref<1x640x16xf32, #tpu.memory_space<hbm>> -> memref<640x16xf32, #tpu.memory_space<hbm>>
        %dma_wait3A_149 = arith.constant 0 : i32
        %dma_wait3A_150 = arith.constant 0 : i32
        %dma_wait3A_151 = tpu.memref_slice %arg10[%dma_wait3A_149, %dma_wait3A_150] : memref<768x16xf32, #tpu.memory_space<vmem>> -> memref<640x16xf32, #tpu.memory_space<vmem>>
        tpu.wait_dma2 semaphore(%run_scoped3A : memref<!tpu.dma_semaphore, #tpu.memory_space<semaphore_mem>>) src(%dma_wait3A_151 : memref<640x16xf32, #tpu.memory_space<vmem>>) dst(%dma_wait3A_148 : memref<640x16xf32, #tpu.memory_space<hbm>>)
        tpu.yield
      }) : () -> ()
    }
    %scan3A_119 = arith.constant 10 : i32
    return
  }
}

module attributes {stable_mosaic.version = 14 : i64} {
  func.func @body(%arg0: i32, %arg1: memref<4096x10xf32, #tpu.memory_space<vmem>>, %arg2: memref<512x128xf32, #tpu.memory_space<vmem>>) attributes {dimension_semantics = [#tpu.dimension_semantics<arbitrary>], iteration_bounds = array<i64: 25>, scalar_prefetch = 0 : i64, scratch_operands = 0 : i64, tpu.core_type = #tpu.core_type<tc>, window_params = [{transform_indices = @transform_0, window_bounds = array<i64: 4096, 10>}, {transform_indices = @transform_1, window_bounds = array<i64: 512, 128>}]} {
    %get3A = arith.constant 0 : index
    %get3A_0 = arith.constant 0 : index
    %get3A_1 = vector.load %arg1[%get3A, %get3A_0] : memref<4096x10xf32, #tpu.memory_space<vmem>>, vector<4096x10xf32>
    %mul3A = arith.constant 4096 : i32
    %mul3A_2 = arith.muli %arg0, %mul3A : i32
    %iota3A = tpu.iota {dimensions = array<i32: 0>} : vector<4096x1xi32>
    %add3A = vector.broadcast %mul3A_2 : i32 to vector<4096x1xi32>
    %add3A_3 = arith.addi %add3A, %iota3A : vector<4096x1xi32>
    %lt3A = arith.constant 100000 : i32
    %lt3A_4 = vector.broadcast %lt3A : i32 to vector<4096x1xi32>
    %lt3A_5 = arith.cmpi slt, %add3A_3, %lt3A_4 : vector<4096x1xi32>
    %broadcast_in_dim3A = arith.constant 1.000000e+00 : f32
    %broadcast_in_dim3A_6 = vector.broadcast %broadcast_in_dim3A : f32 to vector<4096x1xf32>
    %broadcast_in_dim3A_7 = arith.constant 0.000000e+00 : f32
    %broadcast_in_dim3A_8 = vector.broadcast %broadcast_in_dim3A_7 : f32 to vector<4096x5xf32>
    %concatenate3A = tpu.concatenate %get3A_1, %broadcast_in_dim3A_6, %broadcast_in_dim3A_8 in 1 : vector<4096x10xf32>, vector<4096x1xf32>, vector<4096x5xf32> -> vector<4096x16xf32>
    %jit3A = arith.constant 0.000000e+00 : f32
    %broadcast_in_dim3A_9 = vector.shape_cast %lt3A_5 : vector<4096x1xi1> to vector<4096x1xi1>
    %broadcast_in_dim3A_10 = vector.broadcast %broadcast_in_dim3A_9 : vector<4096x1xi1> to vector<4096x16xi1>
    %broadcast_in_dim3A_11 = vector.broadcast %jit3A : f32 to vector<4096x16xf32>
    %select_n3A = arith.select %broadcast_in_dim3A_10, %concatenate3A, %broadcast_in_dim3A_11 : vector<4096x16xi1>, vector<4096x16xf32>
    %slice3A = vector.extract_strided_slice %select_n3A {offsets = [0, 0], sizes = [512, 16], strides = [1, 1]} : vector<4096x16xf32> to vector<512x16xf32>
    %slice3A_12 = vector.extract_strided_slice %select_n3A {offsets = [512, 0], sizes = [512, 16], strides = [1, 1]} : vector<4096x16xf32> to vector<512x16xf32>
    %slice3A_13 = vector.extract_strided_slice %select_n3A {offsets = [1024, 0], sizes = [512, 16], strides = [1, 1]} : vector<4096x16xf32> to vector<512x16xf32>
    %slice3A_14 = vector.extract_strided_slice %select_n3A {offsets = [1536, 0], sizes = [512, 16], strides = [1, 1]} : vector<4096x16xf32> to vector<512x16xf32>
    %slice3A_15 = vector.extract_strided_slice %select_n3A {offsets = [2048, 0], sizes = [512, 16], strides = [1, 1]} : vector<4096x16xf32> to vector<512x16xf32>
    %slice3A_16 = vector.extract_strided_slice %select_n3A {offsets = [2560, 0], sizes = [512, 16], strides = [1, 1]} : vector<4096x16xf32> to vector<512x16xf32>
    %slice3A_17 = vector.extract_strided_slice %select_n3A {offsets = [3072, 0], sizes = [512, 16], strides = [1, 1]} : vector<4096x16xf32> to vector<512x16xf32>
    %slice3A_18 = vector.extract_strided_slice %select_n3A {offsets = [3584, 0], sizes = [512, 16], strides = [1, 1]} : vector<4096x16xf32> to vector<512x16xf32>
    %concatenate3A_19 = tpu.concatenate %slice3A, %slice3A_12, %slice3A_13, %slice3A_14, %slice3A_15, %slice3A_16, %slice3A_17, %slice3A_18 in 1 : vector<512x16xf32>, vector<512x16xf32>, vector<512x16xf32>, vector<512x16xf32>, vector<512x16xf32>, vector<512x16xf32>, vector<512x16xf32>, vector<512x16xf32> -> vector<512x128xf32>
    %swap3A = arith.constant 0 : index
    %swap3A_20 = arith.constant 0 : index
    %swap3A_21 = vector.load %arg2[%swap3A, %swap3A_20] : memref<512x128xf32, #tpu.memory_space<vmem>>, vector<512x128xf32>
    tpu.vector_store %arg2[%swap3A, %swap3A_20], %concatenate3A_19 {strides = array<i32>} : memref<512x128xf32, #tpu.memory_space<vmem>>, vector<512x128xf32>,
    return
  }
  func.func @transform_0(%arg0: i32) -> (i32, i32) {
    %c0_i32 = arith.constant 0 : i32
    %c0_i32_0 = arith.constant 0 : i32
    return %arg0, %c0_i32 : i32, i32
  }
  func.func @transform_1(%arg0: i32) -> (i32, i32) {
    %c0_i32 = arith.constant 0 : i32
    %c0_i32_0 = arith.constant 0 : i32
    return %arg0, %c0_i32 : i32, i32
  }
}

module attributes {stable_mosaic.version = 14 : i64} {
  func.func @body(%arg0: i32, %arg1: memref<2x512x128xf32, #tpu.memory_space<vmem>>, %arg2: memref<512x128xf32, #tpu.memory_space<vmem>>, %arg3: memref<128x128xf32, #tpu.memory_space<vmem>>, %arg4: memref<128x128xf32, #tpu.memory_space<vmem>>, %arg5: memref<128x128xf32, #tpu.memory_space<vmem>>, %arg6: memref<1x128xf32, #tpu.memory_space<vmem>>, %arg7: memref<4096x16xf32, #tpu.memory_space<vmem>>) attributes {dimension_semantics = [#tpu.dimension_semantics<arbitrary>], iteration_bounds = array<i64: 25>, scalar_prefetch = 0 : i64, scratch_operands = 0 : i64, tpu.core_type = #tpu.core_type<tc>, window_params = [{transform_indices = @transform_0, window_bounds = array<i64: 2, 512, 128>}, {transform_indices = @transform_1, window_bounds = array<i64: 512, 128>}, {pipeline_mode = #tpu.pipeline_mode<synchronous>, transform_indices = @transform_2, window_bounds = array<i64: 128, 128>}, {pipeline_mode = #tpu.pipeline_mode<synchronous>, transform_indices = @transform_3, window_bounds = array<i64: 128, 128>}, {pipeline_mode = #tpu.pipeline_mode<synchronous>, transform_indices = @transform_4, window_bounds = array<i64: 128, 128>}, {pipeline_mode = #tpu.pipeline_mode<synchronous>, transform_indices = @transform_5, window_bounds = array<i64: 1, 128>}, {transform_indices = @transform_6, window_bounds = array<i64: 4096, 16>}]} {
    %get3A = arith.constant 0 : index
    %get3A_0 = arith.constant 0 : index
    %get3A_1 = arith.constant 0 : index
    %get3A_2 = vector.load %arg1[%get3A, %get3A_0, %get3A_1] : memref<2x512x128xf32, #tpu.memory_space<vmem>>, vector<1x512x128xf32>
    %get3A_3 = vector.shape_cast %get3A_2 : vector<1x512x128xf32> to vector<512x128xf32>
    %get3A_4 = arith.constant 1 : index
    %get3A_5 = arith.constant 0 : index
    %get3A_6 = arith.constant 0 : index
    %get3A_7 = vector.load %arg1[%get3A_4, %get3A_5, %get3A_6] : memref<2x512x128xf32, #tpu.memory_space<vmem>>, vector<1x512x128xf32>
    %get3A_8 = vector.shape_cast %get3A_7 : vector<1x512x128xf32> to vector<512x128xf32>
    %add3A = arith.addf %get3A_3, %get3A_8 : vector<512x128xf32>
    %get3A_9 = arith.constant 0 : index
    %get3A_10 = arith.constant 0 : index
    %get3A_11 = vector.load %arg5[%get3A_9, %get3A_10] : memref<128x128xf32, #tpu.memory_space<vmem>>, vector<128x128xf32>
    %dot_general3A = arith.constant dense<0.000000e+00> : vector<512x128xf32>
    %dot_general3A_12 = tpu.matmul %add3A, %get3A_11, %dot_general3A {dimension_numbers = #tpu.dot_dimension_numbers<[1], [0], [0], [1], [0, 0, 1, 1], [], []>, transpose_lhs_hint = false} : vector<512x128xf32>, vector<128x128xf32>, vector<512x128xf32> -> vector<512x128xf32>
    %max3A = arith.constant 1.000000e+00 : f32
    %max3A_13 = vector.broadcast %max3A : f32 to vector<512x128xf32>
    %max3A_14 = arith.maximumf %dot_general3A_12, %max3A_13 : vector<512x128xf32>
    %get3A_15 = arith.constant 0 : index
    %get3A_16 = arith.constant 0 : index
    %get3A_17 = vector.load %arg3[%get3A_15, %get3A_16] : memref<128x128xf32, #tpu.memory_space<vmem>>, vector<128x128xf32>
    %dot_general3A_18 = arith.constant dense<0.000000e+00> : vector<512x128xf32>
    %dot_general3A_19 = tpu.matmul %add3A, %get3A_17, %dot_general3A_18 {dimension_numbers = #tpu.dot_dimension_numbers<[1], [0], [0], [1], [0, 0, 1, 1], [], []>, transpose_lhs_hint = false} : vector<512x128xf32>, vector<128x128xf32>, vector<512x128xf32> -> vector<512x128xf32>
    %div3A = arith.divf %dot_general3A_19, %max3A_14 : vector<512x128xf32>
    %get3A_20 = arith.constant 0 : index
    %get3A_21 = arith.constant 0 : index
    %get3A_22 = vector.load %arg2[%get3A_20, %get3A_21] : memref<512x128xf32, #tpu.memory_space<vmem>>, vector<512x128xf32>
    %get3A_23 = arith.constant 0 : index
    %get3A_24 = arith.constant 0 : index
    %get3A_25 = vector.load %arg4[%get3A_23, %get3A_24] : memref<128x128xf32, #tpu.memory_space<vmem>>, vector<128x128xf32>
    %dot_general3A_26 = arith.constant dense<0.000000e+00> : vector<512x128xf32>
    %dot_general3A_27 = tpu.matmul %get3A_22, %get3A_25, %dot_general3A_26 {dimension_numbers = #tpu.dot_dimension_numbers<[1], [0], [0], [1], [0, 0, 1, 1], [], []>, transpose_lhs_hint = false} : vector<512x128xf32>, vector<128x128xf32>, vector<512x128xf32> -> vector<512x128xf32>
    %add3A_28 = arith.addf %div3A, %dot_general3A_27 : vector<512x128xf32>
    %get3A_29 = arith.constant 0 : index
    %get3A_30 = arith.constant 0 : index
    %get3A_31 = vector.load %arg6[%get3A_29, %get3A_30] : memref<1x128xf32, #tpu.memory_space<vmem>>, vector<1x128xf32>
    %add3A_32 = vector.broadcast %get3A_31 : vector<1x128xf32> to vector<512x128xf32>
    %add3A_33 = arith.addf %add3A_28, %add3A_32 : vector<512x128xf32>
    %slice3A = vector.extract_strided_slice %add3A_33 {offsets = [0, 0], sizes = [512, 16], strides = [1, 1]} : vector<512x128xf32> to vector<512x16xf32>
    %slice3A_34 = vector.extract_strided_slice %add3A_33 {offsets = [0, 16], sizes = [512, 16], strides = [1, 1]} : vector<512x128xf32> to vector<512x16xf32>
    %slice3A_35 = vector.extract_strided_slice %add3A_33 {offsets = [0, 32], sizes = [512, 16], strides = [1, 1]} : vector<512x128xf32> to vector<512x16xf32>
    %slice3A_36 = vector.extract_strided_slice %add3A_33 {offsets = [0, 48], sizes = [512, 16], strides = [1, 1]} : vector<512x128xf32> to vector<512x16xf32>
    %slice3A_37 = vector.extract_strided_slice %add3A_33 {offsets = [0, 64], sizes = [512, 16], strides = [1, 1]} : vector<512x128xf32> to vector<512x16xf32>
    %slice3A_38 = vector.extract_strided_slice %add3A_33 {offsets = [0, 80], sizes = [512, 16], strides = [1, 1]} : vector<512x128xf32> to vector<512x16xf32>
    %slice3A_39 = vector.extract_strided_slice %add3A_33 {offsets = [0, 96], sizes = [512, 16], strides = [1, 1]} : vector<512x128xf32> to vector<512x16xf32>
    %slice3A_40 = vector.extract_strided_slice %add3A_33 {offsets = [0, 112], sizes = [512, 16], strides = [1, 1]} : vector<512x128xf32> to vector<512x16xf32>
    %concatenate3A = tpu.concatenate %slice3A, %slice3A_34, %slice3A_35, %slice3A_36, %slice3A_37, %slice3A_38, %slice3A_39, %slice3A_40 in 0 : vector<512x16xf32>, vector<512x16xf32>, vector<512x16xf32>, vector<512x16xf32>, vector<512x16xf32>, vector<512x16xf32>, vector<512x16xf32>, vector<512x16xf32> -> vector<4096x16xf32>
    %swap3A = arith.constant 0 : index
    %swap3A_41 = arith.constant 0 : index
    %swap3A_42 = vector.load %arg7[%swap3A, %swap3A_41] : memref<4096x16xf32, #tpu.memory_space<vmem>>, vector<4096x16xf32>
    tpu.vector_store %arg7[%swap3A, %swap3A_41], %concatenate3A {strides = array<i32>} : memref<4096x16xf32, #tpu.memory_space<vmem>>, vector<4096x16xf32>,
    return
  }
  func.func @transform_0(%arg0: i32) -> (i32, i32, i32) {
    %c0_i32 = arith.constant 0 : i32
    %c0_i32_0 = arith.constant 0 : i32
    %c0_i32_1 = arith.constant 0 : i32
    return %c0_i32, %arg0, %c0_i32_0 : i32, i32, i32
  }
  func.func @transform_1(%arg0: i32) -> (i32, i32) {
    %c0_i32 = arith.constant 0 : i32
    %c0_i32_0 = arith.constant 0 : i32
    return %arg0, %c0_i32 : i32, i32
  }
  func.func @transform_2(%arg0: i32) -> (i32, i32) {
    %c0_i32 = arith.constant 0 : i32
    %c0_i32_0 = arith.constant 0 : i32
    %c0_i32_1 = arith.constant 0 : i32
    return %c0_i32, %c0_i32_0 : i32, i32
  }
  func.func @transform_3(%arg0: i32) -> (i32, i32) {
    %c0_i32 = arith.constant 0 : i32
    %c0_i32_0 = arith.constant 0 : i32
    %c0_i32_1 = arith.constant 0 : i32
    return %c0_i32, %c0_i32_0 : i32, i32
  }
  func.func @transform_4(%arg0: i32) -> (i32, i32) {
    %c0_i32 = arith.constant 0 : i32
    %c0_i32_0 = arith.constant 0 : i32
    %c0_i32_1 = arith.constant 0 : i32
    return %c0_i32, %c0_i32_0 : i32, i32
  }
  func.func @transform_5(%arg0: i32) -> (i32, i32) {
    %c0_i32 = arith.constant 0 : i32
    %c0_i32_0 = arith.constant 0 : i32
    %c0_i32_1 = arith.constant 0 : i32
    return %c0_i32, %c0_i32_0 : i32, i32
  }
  func.func @transform_6(%arg0: i32) -> (i32, i32) {
    %c0_i32 = arith.constant 0 : i32
    %c0_i32_0 = arith.constant 0 : i32
    return %arg0, %c0_i32 : i32, i32
  }
}

</mosaic_0001>

<sc_bundles>
// kernel: kernel.5.cloned.1.call-start
scs
__scs_entry_jumppad:
0x0: {  	(pc) =	sbr.rel $0x88, $3  }
0x1: {  	(tag) =	ssettag $0x0;
	lr =	simm.s32 $0x1  }
0x2: {  	[smem:$0x3F9C] =	sst lr;
	_ =	strace $0xD0000000  }
0x3: {  	_ = 	snop  }
0x4: {  	_ = 	snop  }
0x5: {  	_ = 	snop  }
0x6: {  	_ = 	snop  }
0x7: {  	_ = 	snop  }
__scs_overlays_trampoline_lowered:
0x8: {  	[smem:$0x3FAB] =	sst s0  }
0x9: {  	[smem:$0x3FAC] =	sst s1  }
0xa: {  	[smem:$0x3FAD] =	sst s2  }
0xb: {  	[smem:$0x3FAE] =	sst s3  }
0xc: {  	[smem:$0x3FAF] =	sst s4  }
0xd: {  	[smem:$0x3FB0] =	sst s5  }
0xe: {  	[smem:$0x3FB1] =	sst s6  }
0xf: {  	[smem:$0x3FB2] =	sst s7  }
0x10: {  	[smem:$0x3FB3] =	sst s8  }
0x11: {  	[smem:$0x3FB4] =	sst s9;
	s0 =	simm.s32 @!p0 $0x0  }
0x12: {  	s1 =	sld [smem:$0x3F9A];
	s0 =	simm.s32 @p0 $0x1  }
0x13: {  	[smem:$0x3FB5] =	sst s0;
	s0 =	simm.s32 @!p1 $0x0  }
0x14: {  	s2 =	sld [smem:$0x3F99];
	s0 =	simm.s32 @p1 $0x1  }
0x15: {  	[smem:$0x3FB6] =	sst s0;
	s0 =	simm.s32 @!p2 $0x0  }
0x16: {  	s3 =	sld [smem:$0x3FDB];
	s0 =	simm.s32 @p2 $0x1  }
0x17: {  	s4 =	simm.s32 $0x1BF5;
	[smem:$0x3FB8] =	sst s0  }
0x18: {  	s0 =	sld [smem:$0x3F9B];
	_ =	swait.ge [sflag:s4], $0x0  }
0x19: {  	s7 =	sld [smem:$0x3F9C]  }
0x1a: {  	s8 =	sadd.s32 $0xFFFFE003, lr  }
0x1b: {  	s9 =	sadd.s32 $0xFFFFFEF7, lr;
	s5 =	simm.s32 $0xFFFFFFFF;
	p2 =	slt.u32 s8, $0xFFFFF086  }
0x1c: {  	p1 =	slt.u32 s9, $0xF7A;
	s5 =	simm.s32 @!p2 $0x0  }
0x1d: {  	s5 =	simm.s32 @p1 $0x1;
	p0 =	seq.s32 s7, s2  }
0x1e: {  	s7 =	smul.u32 @!p0 $0xF7A, s2;
	p2 =	seq.s32 @!p0 s5, $0x0  }
0x1f: {  	s9 =	smul.u32 $0xF7A, s1;
	s8 =	simm.s32 @!p0 $0x1BF5;
	p2 =	por !p2, p0  }
0x20: {  	[sflag:s8] =	ssyncset.s32 @!p0 $0xFFFFF086;
	s6 =	sadd.s32 @!p0 s3, s7;
	s7 =	simm.s32 @!p0 $0x108  }
0x21: {  	s3 =	sadd.s32 s3, s9;
	s6 =	sadd.s32 @!p0 $0x88, s6;
	s7 =	simm.s32 @p2 $0x1082  }
0x22: {  	[simem:s7], [sflag:s8] =	dma.local @!p0 [hbm:s6], $0xF7A  }
0x23: {  	s9 =	sor.u32 $0xD0000000, s2;
	s6 =	simm.s32 $0x108;
	_ =	swait.ge @!p0 [sflag:s8], $0x0  }
0x24: {  	s3 =	sadd.s32 $0x88, s3;
	s6 =	simm.s32 @!p1 $0x1082;
	[sflag:s4] =	ssyncset.s32 $0xFFFFF086  }
0x25: {  	[simem:s6], [sflag:s4] =	dma.local [hbm:s3], $0xF7A  }
0x26: {  	[smem:$0x3F9C] =	sst s1;
	(tag) =	ssettag s2;
	_ =	strace s9  }
0x27: {  	s1 =	sld [smem:$0x3FAC]  }
0x28: {  	s2 =	sld [smem:$0x3FAD]  }
0x29: {  	s4 =	sld [smem:$0x3FAF]  }
0x2a: {  	p0 =	seq.s32 s5, $0x0;
	s5 =	sld [smem:$0x3FB0]  }
0x2b: {  	s6 =	sld [smem:$0x3FB1]  }
0x2c: {  	s7 =	sld [smem:$0x3FB2]  }
0x2d: {  	s3 =	simm.s32 $0x108;
	s8 =	sld [smem:$0x3FB3]  }
0x2e: {  	s3 =	simm.s32 @!p0 $0x1082;
	s9 =	sld [smem:$0x3FB4]  }
0x2f: {  	lr =	sadd.s32 s0, s3;
	s0 =	sld [smem:$0x3FAB]  }
0x30: {  	s3 =	sld [smem:$0x3FAE]  }
0x31: {  	[smem:$0x3FB7] =	sst s10  }
0x32: {  	s10 =	sld [smem:$0x3FB5];
	_ =	sdelay $0x3  }
0x33: {  	p0 =	seq.s32 s10, $0x1;
	s10 =	sld [smem:$0x3FB7];
	_ =	sdelay $0x3  }
0x34: {  	[smem:$0x3FB7] =	sst s10  }
0x35: {  	s10 =	sld [smem:$0x3FB6];
	_ =	sdelay $0x3  }
0x36: {  	p1 =	seq.s32 s10, $0x1;
	s10 =	sld [smem:$0x3FB7];
	_ =	sdelay $0x3  }
0x37: {  	[smem:$0x3FB7] =	sst s10  }
0x38: {  	s10 =	sld [smem:$0x3FB8]  }
0x39: {  	_ = 	snop;
	(pc) =	sbr.ind lr, $3  }
0x3a: {  	_ = 	snop  }
0x3b: {  	_ = 	snop  }
0x3c: {  	p2 =	seq.s32 s10, $0x1;
	s10 =	sld [smem:$0x3FB7]  }
0x3d: {  	_ =	shalt  }
0x3e: {  	_ =	shalt  }
0x3f: {  	_ =	shalt  }
0x40: {  	_ =	shalt  }
0x41: {  	_ =	shalt  }
0x42: {  	_ =	shalt  }
0x43: {  	_ =	shalt  }
0x44: {  	_ =	shalt  }
0x45: {  	_ =	shalt  }
0x46: {  	_ =	shalt  }
0x47: {  	_ =	shalt  }
0x48: {  	_ =	shalt  }
0x49: {  	_ =	shalt  }
0x4a: {  	_ =	shalt  }
0x4b: {  	_ =	shalt  }
0x4c: {  	_ =	shalt  }
0x4d: {  	_ =	shalt  }
0x4e: {  	_ =	shalt  }
0x4f: {  	_ =	shalt  }
0x50: {  	_ =	shalt  }
0x51: {  	_ =	shalt  }
0x52: {  	_ =	shalt  }
0x53: {  	_ =	shalt  }
0x54: {  	_ =	shalt  }
0x55: {  	_ =	shalt  }
0x56: {  	_ =	shalt  }
0x57: {  	_ =	shalt  }
0x58: {  	_ =	shalt  }
0x59: {  	_ =	shalt  }
0x5a: {  	_ =	shalt  }
0x5b: {  	_ =	shalt  }
0x5c: {  	_ =	shalt  }
0x5d: {  	_ =	shalt  }
0x5e: {  	_ =	shalt  }
0x5f: {  	_ =	shalt  }
0x60: {  	_ =	shalt  }
0x61: {  	_ =	shalt  }
0x62: {  	_ =	shalt  }
0x63: {  	_ =	shalt  }
0x64: {  	_ =	shalt  }
0x65: {  	_ =	shalt  }
0x66: {  	_ =	shalt  }
0x67: {  	_ =	shalt  }
0x68: {  	_ =	shalt  }
0x69: {  	_ =	shalt  }
0x6a: {  	_ =	shalt  }
0x6b: {  	_ =	shalt  }
0x6c: {  	_ =	shalt  }
0x6d: {  	_ =	shalt  }
0x6e: {  	_ =	shalt  }
0x6f: {  	_ =	shalt  }
0x70: {  	_ =	shalt  }
0x71: {  	_ =	shalt  }
0x72: {  	_ =	shalt  }
0x73: {  	_ =	shalt  }
0x74: {  	_ =	shalt  }
0x75: {  	_ =	shalt  }
0x76: {  	_ =	shalt  }
0x77: {  	_ =	shalt  }
0x78: {  	_ =	shalt  }
0x79: {  	_ =	shalt  }
0x7a: {  	_ =	shalt  }
0x7b: {  	_ =	shalt  }
0x7c: {  	_ =	shalt  }
0x7d: {  	_ =	shalt  }
0x7e: {  	_ =	shalt  }
0x7f: {  	_ =	shalt  }
0x80: {  	_ =	shalt  }
0x81: {  	_ =	shalt  }
0x82: {  	_ =	shalt  }
0x83: {  	_ =	shalt  }
0x84: {  	_ =	shalt  }
0x85: {  	_ =	shalt  }
0x86: {  	_ =	shalt  }
0x87: {  	_ =	shalt  }
.Lfunc_end0:
.L_simem_size_0:
called_computation.1_lowered:
.L_overlay_start_0:
0x88: {  	s2 =	sld [smem:$0x3FD9]  }
0x89: {  	s3 =	sld [smem:$0x3FFE];
	_ =	sdelay $0x1  }
0x8a: {  	s1 =	srdreg.scid  }
0x8b: {  	s0 =	sand.u32 $0x1, s1  }
0x8c: {  	s16 =	sshll.u32 s0, $0xA;
	s2 =	sadd.s32 s3, s2  }
0x8d: {  	s2 =	sadd.s32 s2, s16  }
0x8e: {  	[smem:$0x3FC3] =	sst s2  }
0x8f: {  	_ = 	snop  }
0x90: {  	(tm) =	ssettm $0x1  }
0x91: {  	s17 =	sld [smem:$0x3FFB];
	_ =	sdelay $0x3  }
0x92: {  	_ =	strace s17  }
0x93: {  	s2 =	sld [smem:$0x3FFC];
	_ =	sdelay $0x3  }
0x94: {  	_ =	strace s2  }
0x95: {  	s2 =	sld [smem:$0x3FFD];
	_ =	sdelay $0x3  }
0x96: {  	_ =	strace s2  }
0x97: {  	_ =	strace $0x8FFFFFFF  }
0x98: {  	s18 =	sld [smem:$0x3FDB];
	_ =	sdelay $0x1  }
0x99: {  	s19 =	simm.s32 $_scs_section_size  }
0x9a: {  	s4 =	simm.s32 $_size__tile_overlayer_lowered;
	s5 =	simm.s32 $_tile_overlayer_lowered  }
0x9b: {  	s22 =	simm.s32 $0x1BFF;
	s21 =	sshll.u32 s5, $0x1;
	s2 =	sadd.s32 s19, s18  }
0x9c: {  	s6 =	simm.s32 $0x0;
	s20 =	sshll.u32 s4, $0x1;
	s4 =	sadd.s32 s21, s2  }
0x9d: {  	[timem:s6], [sflag:s22] =	dma.local [hbm:s4], s20  }
0x9e: {  	_ =	swait.ge [sflag:s22], s20  }
0x9f: {  	s3 =	ssub.s32 $0x0, s20;
	[sflag:s22] =	ssyncset.done $0x0  }
0xa0: {  	[sflag:s22] =	ssyncadd.s32 s3;
	_ =	sdelay $0x1  }
0xa1: {  	s23 =	simm.s32 $0x1B8B  }
0xa2: {  	_ =	swait.ge [sflag:s23], $0x1  }
0xa3: {  	[sflag:s23] =	ssyncset.done $0x0  }
0xa4: {  	s25 =	simm.s32 $0x1B8E;
	s24 =	sld [smem:$0x3FFE];
	[sflag:s23] =	ssyncadd.s32 $0xFFFFFFFF  }
0xa5: {  	s26 =	simm.s32 $execute0_lowered;
	[smem:$0x3FD2] =	sst s25  }
0xa6: {  	s4 =	sshll.u32 s26, $0x1;
	_ =	strace $0x80000049;
	[dreg:$0x1] =	wrdreg $0xFFFFFFFF  }
0xa7: {  	s28 =	simm.s32 $_size_execute0_lowered;
	s2 =	sadd.s32 s2, s4;
	[dreg:$0x0] =	wrdreg $0x0  }
0xa8: {  	s4 =	sshll.u32 s28, $0x1;
	[dreg:$0x2] =	wrdreg s2  }
0xa9: {  	[dreg:$0x3] =	wrdreg s4  }
0xaa: {  	[dreg:$0x4] =	wrdreg $0xC0  }
0xab: {  	_ =	task [dreg:s6], $0x5FFFF  }
0xac: {  	[dreg:$0x1] =	wrdreg $0xFFFFFFFF  }
0xad: {  	[dreg:$0x0] =	wrdreg $0x60  }
0xae: {  	[dreg:$0x2] =	wrdreg s24  }
0xaf: {  	[dreg:$0x3] =	wrdreg $0x0  }
0xb0: {  	[dreg:$0x4] =	wrdreg $0x9  }
0xb1: {  	_ =	task.clear_ibuf [dreg:s6], $0x5FFFF;
	_ =	strace $0x90000049  }
0xb2: {  	s29 =	simm.s32 $0x9;
	_ =	strace $0x8000004B  }
0xb3: {  	_ =	swait.ge [sflag:s29], $0x1  }
0xb4: {  	[sflag:s29] =	ssyncadd.s32 $0xFFFFFFFF  }
0xb5: {  	_ =	strace $0x9000004B  }
0xb6: {  	_ =	sfence  }
0xb7: {  	s30 =	sld [smem:$0x0];
	_ =	sdelay $0x2  }
0xb8: {  	s31 =	sshll.u32 s1, $0xD;
	s1 =	sshrl.u32 s1, $0x2  }
0xb9: {  	s3 =	sand.u32 $0x4000, s31;
	s1 =	sadd.s32 s1, s30  }
0xba: {  	s0 =	sor.u32 s3, s0;
	s1 =	sshll.u32 s1, $0x11  }
0xbb: {  	s0 =	sor.u32 s1, s0  }
0xbc: {  	s0 =	sadd.s32 $0x8F2B, s0  }
0xbd: {  	[sflag:s0] =	ssyncadd.remote.s32 $0x1  }
0xbe: {  	_ =	sfence.sel $0xFFFF  }
0xbf: {  	[dreg:$0x0] =	wrdreg $0xFFFFFFFF;
	(pc) =	sbr.abs _section_cstart, $3  }
0xc0: {  	[dreg:$0x1] =	wrdreg $0xFFFFFFFF  }
0xc1: {  	_ =	task.clear_ibuf [dreg:s6], $0x2FFFF;
	_ =	strace $0x9FFFFFFF  }
0xc2: {  	(tm) =	ssettm $0x7FFFFFFF  }
0xc3: {  	_ =	shalt  }
tec
execute0_lowered:
.L_overlay_start_1:
0x0: {  	(tag) =	ssettag $0x1  }
0x1: {  	s0 =	rddreg [dreg:$0x0]  }
0x2: {  	s1 =	rddreg [dreg:$0x1];
	s2 =	simm.s32 $0x0  }
0x3: {  	s3 =	srdreg.scid;
	s16 =	stileid.u32;
	s24 =	simm.s32 $0x19080  }
0x4: {  	s25 =	simm.s32 $0x19100;
	s26 =	simm.s32 $0x19180;
	s15 =	simm.s32 $0x19200  }
0x5: {  	s31 =	simm.s32 $0x19C00;
	s30 =	simm.s32 $0x19600;
	s28 =	simm.s32 $0x0  }
0x6: {  	[smem:$0x7FF] =	sst s2;
	s6 =	sand.u32 $0x1, s3;
	s10 =	smul.u32 $0x624, s16  }
0x7: {  	s4 =	smul.u32 $0x19000, s16;
	_ =	strace $0x8000004A;
	[dreg:$0x5] =	wrdreg s24  }
0x8: {  	s5 =	sadd.s32 $0x18B000, s0;
	s9 =	smul.u32 $0x190000, s6;
	[dreg:$0x6] =	wrdreg s25  }
0x9: {  	s8 =	sadd.s32 $0x2000, s0;
	s7 =	smul.u32 $0x6240, s6;
	[dreg:$0x7] =	wrdreg s26  }
0xa: {  	s3 =	ssub.s32 $0x2, s6;
	s12 =	sshll.u32 s6, $0x4;
	[dreg:$0x8] =	wrdreg s15  }
0xb: {  	s25 =	simm.s32 $0x19400;
	s26 =	simm.s32 $0x19480;
	s6 =	smul.u32 $0x62400, s6  }
0xc: {  	s11 =	sshrl.u32 s3, $0x1;
	s17 =	sor.u32 s16, s12;
	[dreg:$0x10] =	wrdreg s25  }
0xd: {  	[dreg:$0x11] =	wrdreg s26;
	s7 =	sadd.s32 s10, s7;
	s10 =	smul.u32 $0x6240, s17  }
0xe: {  	s3 =	ssub.s32 s3, s11;
	s13 =	sadd.s32 s9, s4;
	s12 =	smul.u32 $0x31200, s17  }
0xf: {  	s11 =	sadd.s32 $0x5000, s4;
	s17 =	simm.s32 $0x19280;
	s18 =	sshrl.u32 s13, $0x3  }
0x10: {  	s7 =	sshll.u32 s7, $0x4;
	[dreg:$0x9] =	wrdreg s17;
	s20 =	sadd.s32 s8, s18  }
0x11: {  	s19 =	sadd.s32 s5, s7;
	s18 =	simm.s32 $0x19680;
	[dreg:$0x19] =	wrdreg s20  }
0x12: {  	s29 =	sadd.s32 s9, s11;
	s21 =	sadd.s32 $0xC0, s19;
	[dreg:$0xa] =	wrdreg s18  }
0x13: {  	s7 =	sadd.s32 $0x2800, s4;
	s22 =	sadd.s32 $0x60, s19;
	[dreg:$0x3] =	wrdreg s21  }
0x14: {  	s14 =	sadd.s32 s9, s7;
	s19 =	simm.s32 $0x19700;
	[dreg:$0x4] =	wrdreg s22  }
0x15: {  	s20 =	simm.s32 $0x19780;
	s18 =	sadd.s32 $0xA000, s4;
	[dreg:$0xb] =	wrdreg s19  }
0x16: {  	s23 =	sshrl.u32 s14, $0x3;
	[dreg:$0xc] =	wrdreg s20;
	s21 =	simm.s32 $0x19800  }
0x17: {  	s14 =	sshrl.u32 s29, $0x3;
	s22 =	simm.s32 $0x19880;
	[dreg:$0xd] =	wrdreg s21  }
0x18: {  	s24 =	sadd.s32 s9, s18;
	s29 =	simm.s32 $0x19500;
	[dreg:$0xe] =	wrdreg s22  }
0x19: {  	s19 =	sadd.s32 $0xC800, s4;
	s18 =	sadd.s32 s18, s1;
	[dreg:$0x12] =	wrdreg s29  }
0x1a: {  	s20 =	sadd.s32 $0xF000, s4;
	s13 =	sadd.s32 s8, s23;
	[smem:$0x7F8] =	sst s18  }
0x1b: {  	s14 =	sadd.s32 s8, s14;
	s23 =	simm.s32 $0x19380;
	[dreg:$0x1a] =	wrdreg s13  }
0x1c: {  	s17 =	sadd.s32 s9, s19;
	s21 =	simm.s32 $0x19980;
	[dreg:$0x1b] =	wrdreg s14  }
0x1d: {  	s22 =	simm.s32 $0x19A00;
	s29 =	simm.s32 $0x19A80;
	[dreg:$0xf] =	wrdreg s23  }
0x1e: {  	s19 =	sadd.s32 s19, s1;
	s18 =	simm.s32 $0x2;
	[dreg:$0x14] =	wrdreg s21  }
0x1f: {  	s13 =	sadd.s32 $0x7800, s4;
	[dreg:$0x15] =	wrdreg s22;
	s23 =	sadd.s32 s9, s20  }
0x20: {  	s21 =	sadd.s32 $0x11800, s4;
	s22 =	sadd.s32 $0x14000, s4;
	[dreg:$0x16] =	wrdreg s29  }
0x21: {  	[smem:$0x7F9] =	sst s19;
	s15 =	sadd.s32 s9, s13;
	s14 =	sshrl.u32 s23, $0x3  }
0x22: {  	s25 =	sadd.s32 s9, s22;
	s15 =	sshrl.u32 s15, $0x3;
	s14 =	sadd.s32 s8, s14  }
0x23: {  	s26 =	sshrl.u32 s25, $0x3;
	s25 =	simm.s32 $0x19B00;
	[dreg:$0x1f] =	wrdreg s14  }
0x24: {  	s19 =	simm.s32 $0x1CC00;
	s15 =	sadd.s32 s8, s15;
	[dreg:$0x17] =	wrdreg s25  }
0x25: {  	s23 =	sadd.s32 $0x16800, s4;
	s25 =	sadd.s32 s21, s1;
	[dreg:$0x1c] =	wrdreg s15  }
0x26: {  	s15 =	sshrl.u32 s24, $0x3;
	s24 =	sadd.s32 s9, s21;
	s9 =	sadd.s32 s9, s23  }
0x27: {  	[smem:$0x7FB] =	sst s25;
	s21 =	simm.s32 $0x1DC00;
	s25 =	simm.s32 $0x5  }
0x28: {  	s15 =	sadd.s32 s8, s15;
	s14 =	sshrl.u32 s24, $0x3;
	s9 =	sshrl.u32 s9, $0x3  }
0x29: {  	s24 =	smul.u32 $0x6240, s16;
	[dreg:$0x1d] =	wrdreg s15;
	s15 =	simm.s32 $0x19580  }
0x2a: {  	s14 =	sadd.s32 s8, s14;
	[dreg:$0x13] =	wrdreg s15;
	s15 =	sshrl.u32 s17, $0x3  }
0x2b: {  	[smem:$0x7EE] =	sst s14;
	s14 =	sadd.s32 s8, s26;
	s17 =	smul.u32 $0x64000, s16  }
0x2c: {  	s26 =	simm.s32 $0x19B80;
	s16 =	sadd.s32 $0x314000, s0;
	[smem:$0x7EF] =	sst s14  }
0x2d: {  	s0 =	simm.s32 $0x7;
	s15 =	sadd.s32 s8, s15;
	[dreg:$0x18] =	wrdreg s26  }
0x2e: {  	s8 =	sadd.s32 s8, s9;
	s14 =	sadd.s32 s5, s10;
	[dreg:$0x1e] =	wrdreg s15  }
0x2f: {  	s9 =	smax.u32 s3, $0x1;
	s10 =	sadd.s32 s7, s1;
	[smem:$0x7F0] =	sst s8  }
0x30: {  	s26 =	sadd.s32 s22, s1;
	s7 =	simm.s32 $0x1A400;
	[smem:$0x7F1] =	sst s14  }
0x31: {  	s22 =	simm.s32 $0x1E400;
	s15 =	sshrl.u32 s12, $0x3;
	[smem:$0x7F4] =	sst s9  }
0x32: {  	s29 =	sshrl.u32 s17, $0x2;
	[smem:$0x7F5] =	sst s10;
	s12 =	sadd.s32 s11, s1  }
0x33: {  	s14 =	sadd.s32 s13, s1;
	[smem:$0x7FC] =	sst s26;
	s9 =	simm.s32 $0x1B400  }
0x34: {  	s10 =	simm.s32 $0x1BC00;
	s11 =	simm.s32 $0x1C400;
	s13 =	simm.s32 $0x19900  }
0x35: {  	s26 =	simm.s32 $0x4;
	s8 =	sadd.s32 s5, s15;
	[smem:$0x7F6] =	sst s12  }
0x36: {  	s5 =	sadd.s32 s6, s5;
	s17 =	sadd.s32 s29, s1;
	[smem:$0x7F7] =	sst s14  }
0x37: {  	s29 =	sadd.s32 s23, s1;
	s12 =	simm.s32 $0x19300;
	s14 =	simm.s32 $0x3  }
0x38: {  	s23 =	simm.s32 $0x1EC00;
	s6 =	sadd.s32 $0xC4800, s8;
	[smem:$0x7FD] =	sst s29  }
0x39: {  	s15 =	sadd.s32 s24, s5;
	s8 =	sadd.s32 s4, s1;
	[smem:$0x7F2] =	sst s6  }
0x3a: {  	s24 =	sadd.s32 s20, s1;
	s4 =	simm.s32 $0x19000;
	[smem:$0x7F3] =	sst s8  }
0x3b: {  	s5 =	simm.s32 $0x1;
	s20 =	simm.s32 $0x1D400;
	[smem:$0x7FA] =	sst s24  }
0x3c: {  	v0 =	vimm.f32 $0.0e+00;
	s6 =	simm.s32 $0x80;
	s8 =	simm.s32 $0x1AC00;
	s24 =	simm.s32 $0x1F400  }
.LBB2_1:
0x3d: {  	[smem:$0x7ED] =	sst s28;
	s28 =	simm.s32 $0x0  }
.LBB2_2:
0x3e: {  	p0 =	sne.s32 s28, $0x1FC0  }
.Ltmp0:
0x3f: {  	_ = 	snop;
	(pc) =	sbr.rel @p0 .LBB2_2-.Ltmp0, $3  }
0x40: {  	_ =	sdelay $0x1  }
0x41: {  	s29 =	sshra.s32 s28, $0x2  }
0x42: {  	s28 =	sadd.s32 $0x40, s28;
	[tilespmem:s29+$0x19C00] =	vst v0  }
0x43: {  	s28 =	sadd.s32 $0x0, s17  }
0x44: {  	[spmem:s28] =	stream.linear.scatter [tilespmem:s31], [sflag:$0x7], $0x800, $0x38;
	[tilespmem:$0x1FC00] =	vst v63  }
0x45: {  	s29 =	simm.s32 $0x2000;
	_ =	swait.ge [sflag:s0], $0x800  }
.LBB2_4:
0x46: {  	s28 =	sshra.s32 s29, $0x2;
	[sflag:s0] =	ssyncset.done $0x0;
	p0 =	sne.s32 s29, $0x62000  }
.Ltmp1:
0x47: {  	s28 =	sadd.s32 s28, s17;
	[sflag:s0] =	ssyncadd.s32 $0xFFFFF800;
	(pc) =	sbr.rel @p0 .LBB2_4-.Ltmp1, $3  }
0x48: {  	[spmem:s28] =	stream.linear.scatter [tilespmem:s31], [sflag:$0x7], $0x800, $0x38;
	[tilespmem:$0x1FC00] =	vst v63  }
0x49: {  	s29 =	sadd.s32 $0x2000, s29;
	_ =	sdelay $0x1  }
0x4a: {  	_ =	swait.ge [sflag:s0], $0x800  }
0x4b: {  	[sflag:s0] =	ssyncset.done $0x0  }
0x4c: {  	[sflag:s0] =	ssyncadd.s32 $0xFFFFF800  }
0x4d: {  	[bflag:$0x0] =	sbarrier.arrive $0xFFFF  }
0x4e: {  	s3 =	sld [smem:$0x7F1];
	_ =	sdelay $0x1  }
0x4f: {  	s28 =	simm.s32 $0x0;
	s29 =	sld [smem:$0x7F2]  }
0x50: {  	[tilespmem:s4], [sflag:$0x1] =	stream.linear.gather [hbm4b:s3+s28], $0x300, $0x38;
	[tilespmem:$0x1FC00] =	vst v63  }
0x51: {  	_ = 	snop  }
0x52: {  	[tilespmem:s30], [sflag:$0x1] =	stream.linear.gather [hbm4b:s29+s28], $0x300, $0x38;
	[tilespmem:$0x1FC00] =	vst v63  }
0x53: {  	_ =	swait.ge [sflag:s5], $0x300  }
0x54: {  	[sflag:s5] =	ssyncset.done $0x0  }
0x55: {  	[sflag:s5] =	ssyncadd.s32 $0xFFFFFD00  }
0x56: {  	_ =	swait.ge [sflag:s5], $0x300  }
0x57: {  	[sflag:s5] =	ssyncset.done $0x0  }
0x58: {  	[sflag:s5] =	ssyncadd.s32 $0xFFFFFD00  }
0x59: {  	[tilespmem:s31], [sflag:$0x3] =	stream.indirect.gather [hbm4b:s16+s6], $0x10, s4, s6, $0xb8;
	[tilespmem:$0x1FC00] =	vst v63  }
0x5a: {  	s28 =	rddreg [dreg:$0x5]  }
0x5b: {  	[tilespmem:s7], [sflag:$0x3] =	stream.indirect.gather [hbm4b:s16+s6], $0x10, s28, s6, $0xb8;
	[tilespmem:$0x1FC00] =	vst v63  }
0x5c: {  	s29 =	rddreg [dreg:$0x6]  }
0x5d: {  	[tilespmem:s8], [sflag:$0x3] =	stream.indirect.gather [hbm4b:s16+s6], $0x10, s29, s6, $0xb8;
	[tilespmem:$0x1FC00] =	vst v63  }
0x5e: {  	s28 =	rddreg [dreg:$0x7]  }
0x5f: {  	[tilespmem:s9], [sflag:$0x3] =	stream.indirect.gather [hbm4b:s16+s6], $0x10, s28, s6, $0xb8;
	[tilespmem:$0x1FC00] =	vst v63  }
0x60: {  	s3 =	rddreg [dreg:$0x8]  }
0x61: {  	[tilespmem:s10], [sflag:$0x3] =	stream.indirect.gather [hbm4b:s16+s6], $0x10, s3, s6, $0xb8;
	[tilespmem:$0x1FC00] =	vst v63  }
0x62: {  	p0 =	por $0x1, $0x1;
	s28 =	rddreg [dreg:$0x9]  }
0x63: {  	[tilespmem:s11], [sflag:$0x3] =	stream.indirect.gather [hbm4b:s16+s6], $0x10, s28, s6, $0xb8;
	[tilespmem:$0x1FC00] =	vst v63  }
0x64: {  	s28 =	simm.s32 @!p0 $0x6  }
0x65: {  	_ =	swait.ge @!p0 [sflag:s28], $0x800  }
0x66: {  	[sflag:s28] =	ssyncset.done @!p0 $0x0  }
0x67: {  	[sflag:s28] =	ssyncadd.s32 @!p0 $0xFFFFF800  }
0x68: {  	_ =	swait.ge @!p0 [sflag:s28], $0x800  }
0x69: {  	[sflag:s28] =	ssyncset.done @!p0 $0x0  }
0x6a: {  	[sflag:s28] =	ssyncadd.s32 @!p0 $0xFFFFF800  }
0x6b: {  	_ =	swait.ge @!p0 [sflag:s28], $0x800  }
0x6c: {  	[sflag:s28] =	ssyncset.done @!p0 $0x0  }
0x6d: {  	[sflag:s28] =	ssyncadd.s32 @!p0 $0xFFFFF800  }
0x6e: {  	_ =	swait.ge @!p0 [sflag:s28], $0x800  }
0x6f: {  	[sflag:s28] =	ssyncset.done @!p0 $0x0  }
0x70: {  	[sflag:s28] =	ssyncadd.s32 @!p0 $0xFFFFF800  }
0x71: {  	_ =	swait.ge @!p0 [sflag:s28], $0x800  }
0x72: {  	[sflag:s28] =	ssyncset.done @!p0 $0x0  }
0x73: {  	[sflag:s28] =	ssyncadd.s32 @!p0 $0xFFFFF800  }
0x74: {  	_ =	swait.ge @!p0 [sflag:s28], $0x800  }
0x75: {  	s3 =	rddreg [dreg:$0x4];
	[sflag:s28] =	ssyncset.done @!p0 $0x0  }
0x76: {  	[sflag:s28] =	ssyncadd.s32 @!p0 $0xFFFFF800;
	s28 =	sadd.s32 $0x0, s3;
	s3 =	sadd.s32 $0x0, s15  }
0x77: {  	[tilespmem:s12], [sflag:$0x2] =	stream.linear.gather [hbm4b:s28+s2], $0x300, $0x38;
	[tilespmem:$0x1FC00] =	vst v63  }
0x78: {  	s28 =	sadd.s32 $0xC4860, s3  }
0x79: {  	[tilespmem:s13], [sflag:$0x2] =	stream.linear.gather [hbm4b:s28+s2], $0x300, $0x38;
	[tilespmem:$0x1FC00] =	vst v63  }
0x7a: {  	_ =	swait.ge [sflag:s14], $0x800  }
0x7b: {  	[sflag:s14] =	ssyncset.done $0x0  }
0x7c: {  	[sflag:s14] =	ssyncadd.s32 $0xFFFFF800  }
0x7d: {  	_ =	swait.ge [sflag:s14], $0x800  }
0x7e: {  	[sflag:s14] =	ssyncset.done $0x0  }
0x7f: {  	[sflag:s14] =	ssyncadd.s32 $0xFFFFF800  }
0x80: {  	_ =	swait.ge [sflag:s14], $0x800  }
0x81: {  	[sflag:s14] =	ssyncset.done $0x0  }
0x82: {  	[sflag:s14] =	ssyncadd.s32 $0xFFFFF800  }
0x83: {  	_ =	swait.ge [sflag:s14], $0x800  }
0x84: {  	[sflag:s14] =	ssyncset.done $0x0  }
0x85: {  	[sflag:s14] =	ssyncadd.s32 $0xFFFFF800  }
0x86: {  	_ =	swait.ge [sflag:s14], $0x800  }
0x87: {  	[sflag:s14] =	ssyncset.done $0x0  }
0x88: {  	[sflag:s14] =	ssyncadd.s32 $0xFFFFF800  }
0x89: {  	_ =	swait.ge [sflag:s14], $0x800  }
0x8a: {  	[sflag:s14] =	ssyncset.done $0x0  }
0x8b: {  	[sflag:s14] =	ssyncadd.s32 $0xFFFFF800  }
0x8c: {  	[spmem:s1] =	stream.indirect.scatter.add.f32 [tilespmem:s31], [sflag:$0x5], $0x10, s30, s6, $0xb8;
	[tilespmem:$0x1FC00] =	vst v63  }
0x8d: {  	s28 =	rddreg [dreg:$0xa]  }
0x8e: {  	[spmem:s1] =	stream.indirect.scatter.add.f32 [tilespmem:s7], [sflag:$0x5], $0x10, s28, s6, $0xb8;
	[tilespmem:$0x1FC00] =	vst v63  }
0x8f: {  	s3 =	rddreg [dreg:$0xb]  }
0x90: {  	[spmem:s1] =	stream.indirect.scatter.add.f32 [tilespmem:s8], [sflag:$0x5], $0x10, s3, s6, $0xb8;
	[tilespmem:$0x1FC00] =	vst v63  }
0x91: {  	s28 =	rddreg [dreg:$0xc]  }
0x92: {  	[spmem:s1] =	stream.indirect.scatter.add.f32 [tilespmem:s9], [sflag:$0x5], $0x10, s28, s6, $0xb8;
	[tilespmem:$0x1FC00] =	vst v63  }
0x93: {  	s3 =	rddreg [dreg:$0xd]  }
0x94: {  	[spmem:s1] =	stream.indirect.scatter.add.f32 [tilespmem:s10], [sflag:$0x5], $0x10, s3, s6, $0xb8;
	[tilespmem:$0x1FC00] =	vst v63  }
0x95: {  	s28 =	rddreg [dreg:$0xe]  }
0x96: {  	[spmem:s1] =	stream.indirect.scatter.add.f32 [tilespmem:s11], [sflag:$0x5], $0x10, s28, s6, $0xb8;
	[tilespmem:$0x1FC00] =	vst v63  }
0x97: {  	_ =	swait.ge [sflag:s18], $0x300  }
0x98: {  	[sflag:s18] =	ssyncset.done $0x0  }
0x99: {  	[sflag:s18] =	ssyncadd.s32 $0xFFFFFD00  }
0x9a: {  	_ =	swait.ge [sflag:s18], $0x300  }
0x9b: {  	[sflag:s18] =	ssyncset.done $0x0  }
0x9c: {  	[sflag:s18] =	ssyncadd.s32 $0xFFFFFD00  }
0x9d: {  	[tilespmem:s19], [sflag:$0x4] =	stream.indirect.gather [hbm4b:s16+s6], $0x10, s12, s6, $0xb8;
	[tilespmem:$0x1FC00] =	vst v63  }
0x9e: {  	s28 =	rddreg [dreg:$0xf]  }
0x9f: {  	[tilespmem:s20], [sflag:$0x4] =	stream.indirect.gather [hbm4b:s16+s6], $0x10, s28, s6, $0xb8;
	[tilespmem:$0x1FC00] =	vst v63  }
0xa0: {  	s3 =	rddreg [dreg:$0x10]  }
0xa1: {  	[tilespmem:s21], [sflag:$0x4] =	stream.indirect.gather [hbm4b:s16+s6], $0x10, s3, s6, $0xb8;
	[tilespmem:$0x1FC00] =	vst v63  }
0xa2: {  	s28 =	rddreg [dreg:$0x11]  }
0xa3: {  	[tilespmem:s22], [sflag:$0x4] =	stream.indirect.gather [hbm4b:s16+s6], $0x10, s28, s6, $0xb8;
	[tilespmem:$0x1FC00] =	vst v63  }
0xa4: {  	s3 =	rddreg [dreg:$0x12]  }
0xa5: {  	[tilespmem:s23], [sflag:$0x4] =	stream.indirect.gather [hbm4b:s16+s6], $0x10, s3, s6, $0xb8;
	[tilespmem:$0x1FC00] =	vst v63  }
0xa6: {  	s28 =	rddreg [dreg:$0x13]  }
0xa7: {  	[tilespmem:s24], [sflag:$0x4] =	stream.indirect.gather [hbm4b:s16+s6], $0x10, s28, s6, $0xb8;
	[tilespmem:$0x1FC00] =	vst v63  }
0xa8: {  	_ =	swait.ge [sflag:s25], $0x800  }
0xa9: {  	[sflag:s25] =	ssyncset.done $0x0  }
0xaa: {  	[sflag:s25] =	ssyncadd.s32 $0xFFFFF800  }
0xab: {  	_ =	swait.ge [sflag:s25], $0x800  }
0xac: {  	[sflag:s25] =	ssyncset.done $0x0  }
0xad: {  	[sflag:s25] =	ssyncadd.s32 $0xFFFFF800  }
0xae: {  	_ =	swait.ge [sflag:s25], $0x800  }
0xaf: {  	[sflag:s25] =	ssyncset.done $0x0  }
0xb0: {  	[sflag:s25] =	ssyncadd.s32 $0xFFFFF800  }
0xb1: {  	_ =	swait.ge [sflag:s25], $0x800  }
0xb2: {  	[sflag:s25] =	ssyncset.done $0x0  }
0xb3: {  	[sflag:s25] =	ssyncadd.s32 $0xFFFFF800  }
0xb4: {  	_ =	swait.ge [sflag:s25], $0x800  }
0xb5: {  	[sflag:s25] =	ssyncset.done $0x0  }
0xb6: {  	[sflag:s25] =	ssyncadd.s32 $0xFFFFF800  }
0xb7: {  	p0 =	por $0x0, $0x0;
	_ =	swait.ge [sflag:s25], $0x800  }
0xb8: {  	s29 =	simm.s32 @!p0 $0x0;
	s28 =	rddreg [dreg:$0x3];
	[sflag:s25] =	ssyncset.done $0x0  }
0xb9: {  	s30 =	simm.s32 @!p0 $0x19000;
	[sflag:s25] =	ssyncadd.s32 $0xFFFFF800;
	s28 =	sadd.s32 @!p0 $0x0, s28  }
0xba: {  	[tilespmem:s30], [sflag:$0x1] =	stream.linear.gather @!p0 [hbm4b:s28+s29], $0x300, $0x38;
	[tilespmem:$0x1FC00] =	vst v63  }
0xbb: {  	s28 =	sadd.s32 @!p0 $0x0, s15  }
0xbc: {  	s30 =	simm.s32 @!p0 $0x19600;
	s28 =	sadd.s32 @!p0 $0xC48C0, s28  }
0xbd: {  	[tilespmem:s30], [sflag:$0x1] =	stream.linear.gather @!p0 [hbm4b:s28+s29], $0x300, $0x38;
	[tilespmem:$0x1FC00] =	vst v63  }
0xbe: {  	_ =	swait.ge [sflag:s26], $0x800  }
0xbf: {  	[sflag:s26] =	ssyncset.done $0x0  }
0xc0: {  	[sflag:s26] =	ssyncadd.s32 $0xFFFFF800  }
0xc1: {  	_ =	swait.ge [sflag:s26], $0x800  }
0xc2: {  	[sflag:s26] =	ssyncset.done $0x0  }
0xc3: {  	[sflag:s26] =	ssyncadd.s32 $0xFFFFF800  }
0xc4: {  	_ =	swait.ge [sflag:s26], $0x800  }
0xc5: {  	[sflag:s26] =	ssyncset.done $0x0  }
0xc6: {  	[sflag:s26] =	ssyncadd.s32 $0xFFFFF800  }
0xc7: {  	_ =	swait.ge [sflag:s26], $0x800  }
0xc8: {  	[sflag:s26] =	ssyncset.done $0x0  }
0xc9: {  	[sflag:s26] =	ssyncadd.s32 $0xFFFFF800  }
0xca: {  	_ =	swait.ge [sflag:s26], $0x800  }
0xcb: {  	[sflag:s26] =	ssyncset.done $0x0  }
0xcc: {  	[sflag:s26] =	ssyncadd.s32 $0xFFFFF800  }
0xcd: {  	_ =	swait.ge [sflag:s26], $0x800  }
0xce: {  	[sflag:s26] =	ssyncset.done $0x0  }
0xcf: {  	s28 =	rddreg [dreg:$0x14];
	[sflag:s26] =	ssyncadd.s32 $0xFFFFF800  }
0xd0: {  	[spmem:s1] =	stream.indirect.scatter.add.f32 [tilespmem:s19], [sflag:$0x6], $0x10, s13, s6, $0xb8;
	[tilespmem:$0x1FC00] =	vst v63  }
0xd1: {  	s3 =	rddreg [dreg:$0x15]  }
0xd2: {  	[spmem:s1] =	stream.indirect.scatter.add.f32 [tilespmem:s20], [sflag:$0x6], $0x10, s28, s6, $0xb8;
	[tilespmem:$0x1FC00] =	vst v63  }
0xd3: {  	s28 =	rddreg [dreg:$0x16]  }
0xd4: {  	[spmem:s1] =	stream.indirect.scatter.add.f32 [tilespmem:s21], [sflag:$0x6], $0x10, s3, s6, $0xb8;
	[tilespmem:$0x1FC00] =	vst v63  }
0xd5: {  	s3 =	rddreg [dreg:$0x17]  }
0xd6: {  	[spmem:s1] =	stream.indirect.scatter.add.f32 [tilespmem:s22], [sflag:$0x6], $0x10, s28, s6, $0xb8;
	[tilespmem:$0x1FC00] =	vst v63  }
0xd7: {  	s30 =	simm.s32 $0xC0;
	s28 =	rddreg [dreg:$0x18]  }
0xd8: {  	[spmem:s1] =	stream.indirect.scatter.add.f32 [tilespmem:s23], [sflag:$0x6], $0x10, s3, s6, $0xb8;
	[tilespmem:$0x1FC00] =	vst v63  }
.LBB2_6:
0xd9: {  	[spmem:s1] =	stream.indirect.scatter.add.f32 [tilespmem:s24], [sflag:$0x6], $0x10, s28, s6, $0xb8;
	[tilespmem:$0x1FC00] =	vst v63  }
0xda: {  	_ =	swait.ge [sflag:s5], $0x300  }
0xdb: {  	[sflag:s5] =	ssyncset.done $0x0  }
0xdc: {  	[sflag:s5] =	ssyncadd.s32 $0xFFFFFD00  }
0xdd: {  	_ =	swait.ge [sflag:s5], $0x300  }
0xde: {  	[sflag:s5] =	ssyncset.done $0x0  }
0xdf: {  	[sflag:s5] =	ssyncadd.s32 $0xFFFFFD00  }
0xe0: {  	[tilespmem:s31], [sflag:$0x3] =	stream.indirect.gather [hbm4b:s16+s6], $0x10, s4, s6, $0xb8;
	[tilespmem:$0x1FC00] =	vst v63  }
0xe1: {  	s28 =	rddreg [dreg:$0x5]  }
0xe2: {  	[tilespmem:s7], [sflag:$0x3] =	stream.indirect.gather [hbm4b:s16+s6], $0x10, s28, s6, $0xb8;
	[tilespmem:$0x1FC00] =	vst v63  }
0xe3: {  	s3 =	rddreg [dreg:$0x6]  }
0xe4: {  	[tilespmem:s8], [sflag:$0x3] =	stream.indirect.gather [hbm4b:s16+s6], $0x10, s3, s6, $0xb8;
	[tilespmem:$0x1FC00] =	vst v63  }
0xe5: {  	s29 =	smov.u32 s30;
	s28 =	rddreg [dreg:$0x7]  }
0xe6: {  	[tilespmem:s9], [sflag:$0x3] =	stream.indirect.gather [hbm4b:s16+s6], $0x10, s28, s6, $0xb8;
	[tilespmem:$0x1FC00] =	vst v63  }
0xe7: {  	p1 =	seq.s32 s29, $0x0;
	s4 =	rddreg [dreg:$0x8]  }
0xe8: {  	[tilespmem:s10], [sflag:$0x3] =	stream.indirect.gather [hbm4b:s16+s6], $0x10, s4, s6, $0xb8;
	[tilespmem:$0x1FC00] =	vst v63  }
0xe9: {  	s3 =	simm.s32 @!p1 $0x6;
	s28 =	rddreg [dreg:$0x9]  }
0xea: {  	[tilespmem:s11], [sflag:$0x3] =	stream.indirect.gather [hbm4b:s16+s6], $0x10, s28, s6, $0xb8;
	[tilespmem:$0x1FC00] =	vst v63  }
0xeb: {  	_ =	swait.ge @!p1 [sflag:s3], $0x800  }
0xec: {  	[sflag:s3] =	ssyncset.done @!p1 $0x0  }
0xed: {  	[sflag:s3] =	ssyncadd.s32 @!p1 $0xFFFFF800  }
0xee: {  	_ =	swait.ge @!p1 [sflag:s3], $0x800  }
0xef: {  	[sflag:s3] =	ssyncset.done @!p1 $0x0  }
0xf0: {  	[sflag:s3] =	ssyncadd.s32 @!p1 $0xFFFFF800  }
0xf1: {  	_ =	swait.ge @!p1 [sflag:s3], $0x800  }
0xf2: {  	[sflag:s3] =	ssyncset.done @!p1 $0x0  }
0xf3: {  	[sflag:s3] =	ssyncadd.s32 @!p1 $0xFFFFF800  }
0xf4: {  	_ =	swait.ge @!p1 [sflag:s3], $0x800  }
0xf5: {  	[sflag:s3] =	ssyncset.done @!p1 $0x0  }
0xf6: {  	[sflag:s3] =	ssyncadd.s32 @!p1 $0xFFFFF800  }
0xf7: {  	_ =	swait.ge @!p1 [sflag:s3], $0x800  }
0xf8: {  	[sflag:s3] =	ssyncset.done @!p1 $0x0  }
0xf9: {  	[sflag:s3] =	ssyncadd.s32 @!p1 $0xFFFFF800  }
0xfa: {  	_ =	swait.ge @!p1 [sflag:s3], $0x800  }
0xfb: {  	[sflag:s3] =	ssyncset.done @!p1 $0x0;
	s28 =	rddreg [dreg:$0x4]  }
0xfc: {  	[sflag:s3] =	ssyncadd.s32 @!p1 $0xFFFFF800;
	s4 =	sadd.s32 s29, s28;
	s28 =	sadd.s32 s29, s15  }
0xfd: {  	[tilespmem:s12], [sflag:$0x2] =	stream.linear.gather [hbm4b:s4+s2], $0x300, $0x38;
	[tilespmem:$0x1FC00] =	vst v63  }
0xfe: {  	s4 =	sadd.s32 $0xC4860, s28  }
0xff: {  	[tilespmem:s13], [sflag:$0x2] =	stream.linear.gather [hbm4b:s4+s2], $0x300, $0x38;
	[tilespmem:$0x1FC00] =	vst v63  }
0x100: {  	_ =	swait.ge [sflag:s14], $0x800  }
0x101: {  	[sflag:s14] =	ssyncset.done $0x0  }
0x102: {  	[sflag:s14] =	ssyncadd.s32 $0xFFFFF800  }
0x103: {  	_ =	swait.ge [sflag:s14], $0x800  }
0x104: {  	[sflag:s14] =	ssyncset.done $0x0  }
0x105: {  	[sflag:s14] =	ssyncadd.s32 $0xFFFFF800  }
0x106: {  	_ =	swait.ge [sflag:s14], $0x800  }
0x107: {  	[sflag:s14] =	ssyncset.done $0x0  }
0x108: {  	[sflag:s14] =	ssyncadd.s32 $0xFFFFF800  }
0x109: {  	_ =	swait.ge [sflag:s14], $0x800  }
0x10a: {  	[sflag:s14] =	ssyncset.done $0x0  }
0x10b: {  	[sflag:s14] =	ssyncadd.s32 $0xFFFFF800  }
0x10c: {  	_ =	swait.ge [sflag:s14], $0x800  }
0x10d: {  	[sflag:s14] =	ssyncset.done $0x0  }
0x10e: {  	[sflag:s14] =	ssyncadd.s32 $0xFFFFF800  }
0x10f: {  	_ =	swait.ge [sflag:s14], $0x800  }
0x110: {  	[sflag:s14] =	ssyncset.done $0x0  }
0x111: {  	s4 =	simm.s32 $0x19600;
	[sflag:s14] =	ssyncadd.s32 $0xFFFFF800  }
0x112: {  	[spmem:s1] =	stream.indirect.scatter.add.f32 [tilespmem:s31], [sflag:$0x5], $0x10, s4, s6, $0xb8;
	[tilespmem:$0x1FC00] =	vst v63  }
0x113: {  	s3 =	rddreg [dreg:$0xa]  }
0x114: {  	[spmem:s1] =	stream.indirect.scatter.add.f32 [tilespmem:s7], [sflag:$0x5], $0x10, s3, s6, $0xb8;
	[tilespmem:$0x1FC00] =	vst v63  }
0x115: {  	s28 =	rddreg [dreg:$0xb]  }
0x116: {  	[spmem:s1] =	stream.indirect.scatter.add.f32 [tilespmem:s8], [sflag:$0x5], $0x10, s28, s6, $0xb8;
	[tilespmem:$0x1FC00] =	vst v63  }
0x117: {  	s4 =	rddreg [dreg:$0xc]  }
0x118: {  	[spmem:s1] =	stream.indirect.scatter.add.f32 [tilespmem:s9], [sflag:$0x5], $0x10, s4, s6, $0xb8;
	[tilespmem:$0x1FC00] =	vst v63  }
0x119: {  	s2 =	rddreg [dreg:$0xd]  }
0x11a: {  	[spmem:s1] =	stream.indirect.scatter.add.f32 [tilespmem:s10], [sflag:$0x5], $0x10, s2, s6, $0xb8;
	[tilespmem:$0x1FC00] =	vst v63  }
0x11b: {  	s28 =	rddreg [dreg:$0xe]  }
0x11c: {  	[spmem:s1] =	stream.indirect.scatter.add.f32 [tilespmem:s11], [sflag:$0x5], $0x10, s28, s6, $0xb8;
	[tilespmem:$0x1FC00] =	vst v63  }
0x11d: {  	_ =	swait.ge [sflag:s18], $0x300  }
0x11e: {  	[sflag:s18] =	ssyncset.done $0x0  }
0x11f: {  	[sflag:s18] =	ssyncadd.s32 $0xFFFFFD00  }
0x120: {  	_ =	swait.ge [sflag:s18], $0x300  }
0x121: {  	[sflag:s18] =	ssyncset.done $0x0  }
0x122: {  	[sflag:s18] =	ssyncadd.s32 $0xFFFFFD00  }
0x123: {  	[tilespmem:s19], [sflag:$0x4] =	stream.indirect.gather [hbm4b:s16+s6], $0x10, s12, s6, $0xb8;
	[tilespmem:$0x1FC00] =	vst v63  }
0x124: {  	s4 =	rddreg [dreg:$0xf]  }
0x125: {  	[tilespmem:s20], [sflag:$0x4] =	stream.indirect.gather [hbm4b:s16+s6], $0x10, s4, s6, $0xb8;
	[tilespmem:$0x1FC00] =	vst v63  }
0x126: {  	s2 =	rddreg [dreg:$0x10]  }
0x127: {  	[tilespmem:s21], [sflag:$0x4] =	stream.indirect.gather [hbm4b:s16+s6], $0x10, s2, s6, $0xb8;
	[tilespmem:$0x1FC00] =	vst v63  }
0x128: {  	s28 =	rddreg [dreg:$0x11]  }
0x129: {  	[tilespmem:s22], [sflag:$0x4] =	stream.indirect.gather [hbm4b:s16+s6], $0x10, s28, s6, $0xb8;
	[tilespmem:$0x1FC00] =	vst v63  }
0x12a: {  	s3 =	rddreg [dreg:$0x12]  }
0x12b: {  	[tilespmem:s23], [sflag:$0x4] =	stream.indirect.gather [hbm4b:s16+s6], $0x10, s3, s6, $0xb8;
	[tilespmem:$0x1FC00] =	vst v63  }
0x12c: {  	s2 =	rddreg [dreg:$0x13]  }
0x12d: {  	[tilespmem:s24], [sflag:$0x4] =	stream.indirect.gather [hbm4b:s16+s6], $0x10, s2, s6, $0xb8;
	[tilespmem:$0x1FC00] =	vst v63  }
0x12e: {  	_ =	swait.ge [sflag:s25], $0x800  }
0x12f: {  	[sflag:s25] =	ssyncset.done $0x0  }
0x130: {  	[sflag:s25] =	ssyncadd.s32 $0xFFFFF800  }
0x131: {  	_ =	swait.ge [sflag:s25], $0x800  }
0x132: {  	[sflag:s25] =	ssyncset.done $0x0  }
0x133: {  	[sflag:s25] =	ssyncadd.s32 $0xFFFFF800  }
0x134: {  	_ =	swait.ge [sflag:s25], $0x800  }
0x135: {  	[sflag:s25] =	ssyncset.done $0x0  }
0x136: {  	[sflag:s25] =	ssyncadd.s32 $0xFFFFF800  }
0x137: {  	_ =	swait.ge [sflag:s25], $0x800  }
0x138: {  	[sflag:s25] =	ssyncset.done $0x0  }
0x139: {  	[sflag:s25] =	ssyncadd.s32 $0xFFFFF800  }
0x13a: {  	_ =	swait.ge [sflag:s25], $0x800  }
0x13b: {  	[sflag:s25] =	ssyncset.done $0x0  }
0x13c: {  	p1 =	seq.s32 s29, $0x6180;
	[sflag:s25] =	ssyncadd.s32 $0xFFFFF800  }
0x13d: {  	s4 =	simm.s32 @!p1 $0x0;
	_ =	swait.ge [sflag:s25], $0x800  }
0x13e: {  	s28 =	simm.s32 @!p1 $0x19000;
	s3 =	rddreg [dreg:$0x3];
	[sflag:s25] =	ssyncset.done $0x0  }
0x13f: {  	[sflag:s25] =	ssyncadd.s32 $0xFFFFF800;
	s3 =	sadd.s32 @!p1 s29, s3;
	s29 =	sadd.s32 @!p1 s29, s15  }
0x140: {  	[tilespmem:s28], [sflag:$0x1] =	stream.linear.gather @!p1 [hbm4b:s3+s4], $0x300, $0x38;
	[tilespmem:$0x1FC00] =	vst v63  }
0x141: {  	s2 =	simm.s32 @!p1 $0x19600;
	s3 =	sadd.s32 @!p1 $0xC48C0, s29  }
0x142: {  	[tilespmem:s2], [sflag:$0x1] =	stream.linear.gather @!p1 [hbm4b:s3+s4], $0x300, $0x38;
	[tilespmem:$0x1FC00] =	vst v63  }
0x143: {  	_ =	swait.ge [sflag:s26], $0x800  }
0x144: {  	[sflag:s26] =	ssyncset.done $0x0  }
0x145: {  	[sflag:s26] =	ssyncadd.s32 $0xFFFFF800  }
0x146: {  	_ =	swait.ge [sflag:s26], $0x800  }
0x147: {  	[sflag:s26] =	ssyncset.done $0x0  }
0x148: {  	[sflag:s26] =	ssyncadd.s32 $0xFFFFF800  }
0x149: {  	_ =	swait.ge [sflag:s26], $0x800  }
0x14a: {  	[sflag:s26] =	ssyncset.done $0x0  }
0x14b: {  	[sflag:s26] =	ssyncadd.s32 $0xFFFFF800  }
0x14c: {  	_ =	swait.ge [sflag:s26], $0x800  }
0x14d: {  	[sflag:s26] =	ssyncset.done $0x0  }
0x14e: {  	[sflag:s26] =	ssyncadd.s32 $0xFFFFF800  }
0x14f: {  	_ =	swait.ge [sflag:s26], $0x800  }
0x150: {  	[sflag:s26] =	ssyncset.done $0x0  }
0x151: {  	[sflag:s26] =	ssyncadd.s32 $0xFFFFF800  }
0x152: {  	_ =	swait.ge [sflag:s26], $0x800  }
0x153: {  	[sflag:s26] =	ssyncset.done $0x0  }
0x154: {  	[sflag:s26] =	ssyncadd.s32 $0xFFFFF800  }
0x155: {  	[spmem:s1] =	stream.indirect.scatter.add.f32 [tilespmem:s19], [sflag:$0x6], $0x10, s13, s6, $0xb8;
	[tilespmem:$0x1FC00] =	vst v63  }
0x156: {  	s30 =	sadd.s32 $0xC0, s30;
	s29 =	rddreg [dreg:$0x14]  }
0x157: {  	[spmem:s1] =	stream.indirect.scatter.add.f32 [tilespmem:s20], [sflag:$0x6], $0x10, s29, s6, $0xb8;
	[tilespmem:$0x1FC00] =	vst v63  }
0x158: {  	p0 =	sne.s32 s30, $0x6240;
	s3 =	rddreg [dreg:$0x15]  }
0x159: {  	[spmem:s1] =	stream.indirect.scatter.add.f32 [tilespmem:s21], [sflag:$0x6], $0x10, s3, s6, $0xb8;
	[tilespmem:$0x1FC00] =	vst v63  }
.Ltmp2:
0x15a: {  	s4 =	rddreg [dreg:$0x16];
	(pc) =	sbr.rel @p0 .LBB2_6-.Ltmp2, $4  }
0x15b: {  	s28 =	rddreg [dreg:$0x18]  }
0x15c: {  	[spmem:s1] =	stream.indirect.scatter.add.f32 [tilespmem:s22], [sflag:$0x6], $0x10, s4, s6, $0xb8;
	[tilespmem:$0x1FC00] =	vst v63  }
0x15d: {  	s2 =	simm.s32 $0x0;
	s29 =	rddreg [dreg:$0x17];
	s4 =	simm.s32 $0x19000  }
0x15e: {  	[spmem:s1] =	stream.indirect.scatter.add.f32 [tilespmem:s23], [sflag:$0x6], $0x10, s29, s6, $0xb8;
	[tilespmem:$0x1FC00] =	vst v63  }
0x15f: {  	[spmem:s1] =	stream.indirect.scatter.add.f32 [tilespmem:s24], [sflag:$0x6], $0x10, s28, s6, $0xb8;
	[tilespmem:$0x1FC00] =	vst v63  }
0x160: {  	s3 =	simm.s32 $0x6  }
0x161: {  	_ =	swait.ge [sflag:s3], $0x800  }
0x162: {  	[sflag:s3] =	ssyncset.done $0x0  }
0x163: {  	[sflag:s3] =	ssyncadd.s32 $0xFFFFF800  }
0x164: {  	_ =	swait.ge [sflag:s3], $0x800  }
0x165: {  	[sflag:s3] =	ssyncset.done $0x0  }
0x166: {  	[sflag:s3] =	ssyncadd.s32 $0xFFFFF800  }
0x167: {  	_ =	swait.ge [sflag:s3], $0x800  }
0x168: {  	[sflag:s3] =	ssyncset.done $0x0  }
0x169: {  	[sflag:s3] =	ssyncadd.s32 $0xFFFFF800  }
0x16a: {  	_ =	swait.ge [sflag:s3], $0x800  }
0x16b: {  	[sflag:s3] =	ssyncset.done $0x0  }
0x16c: {  	[sflag:s3] =	ssyncadd.s32 $0xFFFFF800  }
0x16d: {  	_ =	swait.ge [sflag:s3], $0x800  }
0x16e: {  	[sflag:s3] =	ssyncset.done $0x0  }
0x16f: {  	[sflag:s3] =	ssyncadd.s32 $0xFFFFF800  }
0x170: {  	_ =	swait.ge [sflag:s3], $0x800  }
0x171: {  	[sflag:s3] =	ssyncset.done $0x0  }
0x172: {  	[sflag:s3] =	ssyncadd.s32 $0xFFFFF800  }
0x173: {  	[bflag:$0x0] =	sbarrier.arrive $0xFFFF  }
0x174: {  	s29 =	sld [smem:$0x7F3];
	_ =	sdelay $0x2  }
0x175: {  	[tilespmem:s31], [sflag:$0x7] =	stream.linear.gather [spmem:s29], $0x2800, $0x38;
	[tilespmem:$0x1FC00] =	vst v63  }
0x176: {  	_ =	swait.ge [sflag:s0], $0x2800  }
0x177: {  	[sflag:s0] =	ssyncset.done $0x0  }
0x178: {  	s29 =	rddreg [dreg:$0x19];
	[sflag:s0] =	ssyncadd.s32 $0xFFFFD800  }
0x179: {  	[hbm4b:s29+s2] =	stream.linear.scatter [tilespmem:s31], [sflag:$0x7], $0x2800, $0x38;
	[tilespmem:$0x1FC00] =	vst v63  }
0x17a: {  	_ =	swait.ge [sflag:s0], $0x2800  }
0x17b: {  	s29 =	sld [smem:$0x7F5]  }
0x17c: {  	[sflag:s0] =	ssyncset.done $0x0  }
0x17d: {  	[sflag:s0] =	ssyncadd.s32 $0xFFFFD800  }
0x17e: {  	[tilespmem:s31], [sflag:$0x7] =	stream.linear.gather [spmem:s29], $0x2800, $0x38;
	[tilespmem:$0x1FC00] =	vst v63  }
0x17f: {  	_ =	swait.ge [sflag:s0], $0x2800  }
0x180: {  	[sflag:s0] =	ssyncset.done $0x0  }
0x181: {  	s29 =	rddreg [dreg:$0x1a];
	[sflag:s0] =	ssyncadd.s32 $0xFFFFD800  }
0x182: {  	[hbm4b:s29+s2] =	stream.linear.scatter [tilespmem:s31], [sflag:$0x7], $0x2800, $0x38;
	[tilespmem:$0x1FC00] =	vst v63  }
0x183: {  	_ =	swait.ge [sflag:s0], $0x2800  }
0x184: {  	s29 =	sld [smem:$0x7F6]  }
0x185: {  	[sflag:s0] =	ssyncset.done $0x0  }
0x186: {  	[sflag:s0] =	ssyncadd.s32 $0xFFFFD800  }
0x187: {  	[tilespmem:s31], [sflag:$0x7] =	stream.linear.gather [spmem:s29], $0x2800, $0x38;
	[tilespmem:$0x1FC00] =	vst v63  }
0x188: {  	_ =	swait.ge [sflag:s0], $0x2800  }
0x189: {  	[sflag:s0] =	ssyncset.done $0x0  }
0x18a: {  	s29 =	rddreg [dreg:$0x1b];
	[sflag:s0] =	ssyncadd.s32 $0xFFFFD800  }
0x18b: {  	[hbm4b:s29+s2] =	stream.linear.scatter [tilespmem:s31], [sflag:$0x7], $0x2800, $0x38;
	[tilespmem:$0x1FC00] =	vst v63  }
0x18c: {  	_ =	swait.ge [sflag:s0], $0x2800  }
0x18d: {  	s29 =	sld [smem:$0x7F7]  }
0x18e: {  	[sflag:s0] =	ssyncset.done $0x0  }
0x18f: {  	[sflag:s0] =	ssyncadd.s32 $0xFFFFD800  }
0x190: {  	[tilespmem:s31], [sflag:$0x7] =	stream.linear.gather [spmem:s29], $0x2800, $0x38;
	[tilespmem:$0x1FC00] =	vst v63  }
0x191: {  	_ =	swait.ge [sflag:s0], $0x2800  }
0x192: {  	[sflag:s0] =	ssyncset.done $0x0  }
0x193: {  	s29 =	rddreg [dreg:$0x1c];
	[sflag:s0] =	ssyncadd.s32 $0xFFFFD800  }
0x194: {  	[hbm4b:s29+s2] =	stream.linear.scatter [tilespmem:s31], [sflag:$0x7], $0x2800, $0x38;
	[tilespmem:$0x1FC00] =	vst v63  }
0x195: {  	_ =	swait.ge [sflag:s0], $0x2800  }
0x196: {  	s29 =	sld [smem:$0x7F8]  }
0x197: {  	[sflag:s0] =	ssyncset.done $0x0  }
0x198: {  	[sflag:s0] =	ssyncadd.s32 $0xFFFFD800  }
0x199: {  	[tilespmem:s31], [sflag:$0x7] =	stream.linear.gather [spmem:s29], $0x2800, $0x38;
	[tilespmem:$0x1FC00] =	vst v63  }
0x19a: {  	_ =	swait.ge [sflag:s0], $0x2800  }
0x19b: {  	[sflag:s0] =	ssyncset.done $0x0  }
0x19c: {  	s29 =	rddreg [dreg:$0x1d];
	[sflag:s0] =	ssyncadd.s32 $0xFFFFD800  }
0x19d: {  	[hbm4b:s29+s2] =	stream.linear.scatter [tilespmem:s31], [sflag:$0x7], $0x2800, $0x38;
	[tilespmem:$0x1FC00] =	vst v63  }
0x19e: {  	_ =	swait.ge [sflag:s0], $0x2800  }
0x19f: {  	s29 =	sld [smem:$0x7F9]  }
0x1a0: {  	[sflag:s0] =	ssyncset.done $0x0  }
0x1a1: {  	[sflag:s0] =	ssyncadd.s32 $0xFFFFD800  }
0x1a2: {  	[tilespmem:s31], [sflag:$0x7] =	stream.linear.gather [spmem:s29], $0x2800, $0x38;
	[tilespmem:$0x1FC00] =	vst v63  }
0x1a3: {  	_ =	swait.ge [sflag:s0], $0x2800  }
0x1a4: {  	[sflag:s0] =	ssyncset.done $0x0  }
0x1a5: {  	s29 =	rddreg [dreg:$0x1e];
	[sflag:s0] =	ssyncadd.s32 $0xFFFFD800  }
0x1a6: {  	[hbm4b:s29+s2] =	stream.linear.scatter [tilespmem:s31], [sflag:$0x7], $0x2800, $0x38;
	[tilespmem:$0x1FC00] =	vst v63  }
0x1a7: {  	_ =	swait.ge [sflag:s0], $0x2800  }
0x1a8: {  	s29 =	sld [smem:$0x7FA]  }
0x1a9: {  	[sflag:s0] =	ssyncset.done $0x0  }
0x1aa: {  	[sflag:s0] =	ssyncadd.s32 $0xFFFFD800  }
0x1ab: {  	[tilespmem:s31], [sflag:$0x7] =	stream.linear.gather [spmem:s29], $0x2800, $0x38;
	[tilespmem:$0x1FC00] =	vst v63  }
0x1ac: {  	_ =	swait.ge [sflag:s0], $0x2800  }
0x1ad: {  	[sflag:s0] =	ssyncset.done $0x0  }
0x1ae: {  	s29 =	rddreg [dreg:$0x1f];
	[sflag:s0] =	ssyncadd.s32 $0xFFFFD800  }
0x1af: {  	[hbm4b:s29+s2] =	stream.linear.scatter [tilespmem:s31], [sflag:$0x7], $0x2800, $0x38;
	[tilespmem:$0x1FC00] =	vst v63  }
0x1b0: {  	_ =	swait.ge [sflag:s0], $0x2800  }
0x1b1: {  	s29 =	sld [smem:$0x7FB]  }
0x1b2: {  	[sflag:s0] =	ssyncset.done $0x0  }
0x1b3: {  	[sflag:s0] =	ssyncadd.s32 $0xFFFFD800  }
0x1b4: {  	[tilespmem:s31], [sflag:$0x7] =	stream.linear.gather [spmem:s29], $0x2800, $0x38;
	[tilespmem:$0x1FC00] =	vst v63  }
0x1b5: {  	_ =	swait.ge [sflag:s0], $0x2800  }
0x1b6: {  	s29 =	sld [smem:$0x7EE]  }
0x1b7: {  	[sflag:s0] =	ssyncset.done $0x0  }
0x1b8: {  	[sflag:s0] =	ssyncadd.s32 $0xFFFFD800  }
0x1b9: {  	[hbm4b:s29+s2] =	stream.linear.scatter [tilespmem:s31], [sflag:$0x7], $0x2800, $0x38;
	[tilespmem:$0x1FC00] =	vst v63  }
0x1ba: {  	_ =	swait.ge [sflag:s0], $0x2800  }
0x1bb: {  	s29 =	sld [smem:$0x7FC]  }
0x1bc: {  	[sflag:s0] =	ssyncset.done $0x0  }
0x1bd: {  	[sflag:s0] =	ssyncadd.s32 $0xFFFFD800  }
0x1be: {  	[tilespmem:s31], [sflag:$0x7] =	stream.linear.gather [spmem:s29], $0x2800, $0x38;
	[tilespmem:$0x1FC00] =	vst v63  }
0x1bf: {  	_ =	swait.ge [sflag:s0], $0x2800  }
0x1c0: {  	s29 =	sld [smem:$0x7EF]  }
0x1c1: {  	[sflag:s0] =	ssyncset.done $0x0  }
0x1c2: {  	[sflag:s0] =	ssyncadd.s32 $0xFFFFD800  }
0x1c3: {  	[hbm4b:s29+s2] =	stream.linear.scatter [tilespmem:s31], [sflag:$0x7], $0x2800, $0x38;
	[tilespmem:$0x1FC00] =	vst v63  }
0x1c4: {  	_ =	swait.ge [sflag:s0], $0x2800  }
0x1c5: {  	s29 =	sld [smem:$0x7FD]  }
0x1c6: {  	[sflag:s0] =	ssyncset.done $0x0  }
0x1c7: {  	[sflag:s0] =	ssyncadd.s32 $0xFFFFD800  }
0x1c8: {  	[tilespmem:s31], [sflag:$0x7] =	stream.linear.gather [spmem:s29], $0x2800, $0x38;
	[tilespmem:$0x1FC00] =	vst v63  }
0x1c9: {  	_ =	swait.ge [sflag:s0], $0x2800  }
0x1ca: {  	s29 =	sld [smem:$0x7F0]  }
0x1cb: {  	[sflag:s0] =	ssyncset.done $0x0  }
0x1cc: {  	[sflag:s0] =	ssyncadd.s32 $0xFFFFD800  }
0x1cd: {  	[hbm4b:s29+s2] =	stream.linear.scatter [tilespmem:s31], [sflag:$0x7], $0x2800, $0x38;
	[tilespmem:$0x1FC00] =	vst v63  }
0x1ce: {  	_ =	swait.ge [sflag:s0], $0x2800  }
0x1cf: {  	s28 =	sld [smem:$0x7ED]  }
0x1d0: {  	s29 =	sld [smem:$0x7F4];
	_ =	sdelay $0x1  }
0x1d1: {  	s28 =	sadd.s32 $0x1, s28  }
0x1d2: {  	p0 =	sne.s32 s28, s29  }
.Ltmp3:
0x1d3: {  	_ = 	snop;
	(pc) =	sbr.rel @p0 .LBB2_1-.Ltmp3, $3  }
0x1d4: {  	_ =	sdelay $0x1  }
0x1d5: {  	[sflag:s0] =	ssyncset.done $0x0  }
0x1d6: {  	s30 =	simm.s32 $0x19600;
	[sflag:s0] =	ssyncadd.s32 $0xFFFFD800  }
0x1d7: {  	_ =	sfence.sel $0x180000  }
0x1d8: {  	[bflag:$0x0] =	sbarrier.arrive $0xFFFF  }
0x1d9: {  	_ =	strace $0x9000004A  }
0x1da: {  	s0 =	stileid.u32;
	[bflag:$0x2] =	sbarrier.arrive $0xFFFF  }
0x1db: {  	p0 =	sne.s32 s0, $0x0;
	s0 =	rddreg [dreg:$0x2]  }
0x1dc: {  	s0 =	sadd.s32 @!p0 $0x100000, s0  }
0x1dd: {  	[sflag:s0] =	ssyncadd.tile.s32 @!p0 $0x1;
	_ =	shalt  }
.Lfunc_end2:
_tile_overlayer_lowered:
.L_overlay_start_2:
0x1de: {  	(tag) =	ssettag $0x2  }
0x1df: {  	s0 =	rddreg [dreg:$0x0];
	s2 =	stileid.u32  }
0x1e0: {  	s1 =	rddreg [dreg:$0x1];
	p0 =	sne.s32 s2, $0x0  }
0x1e1: {  	s3 =	rddreg [dreg:$0x2];
	[bflag:$0x3] =	sbarrier.arrive $0xFFFF;
	s2 =	simm.s32 @!p0 $0x1C07  }
0x1e2: {  	[timem:s3], [sflag:s2] =	dma.local @!p0 [hbm:s0], s1  }
0x1e3: {  	s0 =	simm.s32 @!p0 $0x7  }
0x1e4: {  	_ =	swait.ge @!p0 [sflag:s0], s1  }
0x1e5: {  	s1 =	ssub.s32 @!p0 $0x0, s1;
	[sflag:s0] =	ssyncset.done @!p0 $0x0  }
0x1e6: {  	[sflag:s0] =	ssyncadd.s32 @!p0 s1  }
0x1e7: {  	[bflag:$0x3] =	sbarrier.arrive $0xFFFF  }
0x1e8: {  	_ =	shalt  }

// kernel: sparse-core-data-format-call.cloned.1.call-start
scs
called_computation_lowered:
.L_overlay_start_0:
0x0: {  	s1 =	sld [smem:$0x3FD9]  }
0x1: {  	s2 =	sld [smem:$0x3FFE];
	_ =	sdelay $0x1  }
0x2: {  	s3 =	srdreg.scid  }
0x3: {  	s0 =	sand.u32 $0x1, s3  }
0x4: {  	s17 =	sshll.u32 s0, $0xA;
	s1 =	sadd.s32 s2, s1  }
0x5: {  	s1 =	sadd.s32 s1, s17  }
0x6: {  	[smem:$0x3FC3] =	sst s1  }
0x7: {  	_ = 	snop  }
0x8: {  	(tm) =	ssettm $0x1  }
0x9: {  	s18 =	sld [smem:$0x3FFB];
	_ =	sdelay $0x3  }
0xa: {  	_ =	strace s18  }
0xb: {  	s1 =	sld [smem:$0x3FFC];
	_ =	sdelay $0x3  }
0xc: {  	_ =	strace s1  }
0xd: {  	s1 =	sld [smem:$0x3FFD];
	_ =	sdelay $0x3  }
0xe: {  	_ =	strace s1  }
0xf: {  	_ =	strace $0x8FFFFFFF  }
0x10: {  	s19 =	sld [smem:$0x3FDB];
	_ =	sdelay $0x1  }
0x11: {  	s20 =	simm.s32 $_scs_section_size  }
0x12: {  	s4 =	simm.s32 $_size__tile_overlayer_lowered;
	s5 =	simm.s32 $_tile_overlayer_lowered  }
0x13: {  	s23 =	simm.s32 $0x1BFF;
	s22 =	sshll.u32 s5, $0x1;
	s1 =	sadd.s32 s20, s19  }
0x14: {  	s6 =	simm.s32 $0x0;
	s21 =	sshll.u32 s4, $0x1;
	s4 =	sadd.s32 s22, s1  }
0x15: {  	[timem:s6], [sflag:s23] =	dma.local [hbm:s4], s21  }
0x16: {  	_ =	swait.ge [sflag:s23], s21  }
0x17: {  	s2 =	ssub.s32 $0x0, s21;
	[sflag:s23] =	ssyncset.done $0x0  }
0x18: {  	[sflag:s23] =	ssyncadd.s32 s2;
	_ =	sdelay $0x1  }
0x19: {  	s24 =	simm.s32 $0x1B8B  }
0x1a: {  	_ =	swait.ge [sflag:s24], $0x1  }
0x1b: {  	[sflag:s24] =	ssyncset.done $0x0  }
0x1c: {  	s26 =	simm.s32 $0x1B8E;
	s25 =	sld [smem:$0x3FFE];
	[sflag:s24] =	ssyncadd.s32 $0xFFFFFFFF  }
0x1d: {  	s27 =	simm.s32 $execute0_lowered;
	[smem:$0x3FD2] =	sst s26  }
0x1e: {  	s4 =	sshll.u32 s27, $0x1;
	_ =	strace $0x80000046;
	[dreg:$0x1] =	wrdreg $0xFFFFFFFF  }
0x1f: {  	s28 =	simm.s32 $_size_execute0_lowered;
	s1 =	sadd.s32 s1, s4;
	[dreg:$0x0] =	wrdreg $0x0  }
0x20: {  	s4 =	sshll.u32 s28, $0x1;
	[dreg:$0x2] =	wrdreg s1  }
0x21: {  	[dreg:$0x3] =	wrdreg s4  }
0x22: {  	[dreg:$0x4] =	wrdreg $0xC0  }
0x23: {  	_ =	task [dreg:s6], $0x5FFFF  }
0x24: {  	[dreg:$0x1] =	wrdreg $0xFFFFFFFF  }
0x25: {  	[dreg:$0x0] =	wrdreg $0x60  }
0x26: {  	[dreg:$0x2] =	wrdreg s25  }
0x27: {  	[dreg:$0x3] =	wrdreg $0x9  }
0x28: {  	_ =	task.clear_ibuf [dreg:s6], $0x4FFFF;
	_ =	strace $0x90000046  }
0x29: {  	s29 =	simm.s32 $0x9;
	_ =	strace $0x80000048  }
0x2a: {  	_ =	swait.ge [sflag:s29], $0x1  }
0x2b: {  	[sflag:s29] =	ssyncadd.s32 $0xFFFFFFFF  }
0x2c: {  	_ =	strace $0x90000048  }
0x2d: {  	_ =	sfence  }
0x2e: {  	s30 =	sld [smem:$0x0];
	_ =	sdelay $0x2  }
0x2f: {  	s31 =	sshll.u32 s3, $0xD;
	s3 =	sshrl.u32 s3, $0x2  }
0x30: {  	s2 =	sand.u32 $0x4000, s31;
	s1 =	sadd.s32 s3, s30  }
0x31: {  	s0 =	sor.u32 s2, s0;
	s1 =	sshll.u32 s1, $0x11  }
0x32: {  	s0 =	sor.u32 s1, s0  }
0x33: {  	s0 =	sadd.s32 $0x8F2B, s0  }
0x34: {  	[sflag:s0] =	ssyncadd.remote.s32 $0x1  }
0x35: {  	_ =	sfence.sel $0xFFFF  }
0x36: {  	[dreg:$0x0] =	wrdreg $0xFFFFFFFF;
	(pc) =	sbr.abs _section_cstart, $3  }
0x37: {  	[dreg:$0x1] =	wrdreg $0xFFFFFFFF  }
0x38: {  	_ =	task.clear_ibuf [dreg:s6], $0x2FFFF;
	_ =	strace $0x9FFFFFFF  }
0x39: {  	(tm) =	ssettm $0x7FFFFFFF  }
tec
execute0_lowered:
.L_overlay_start_1:
0x0: {  	(tag) =	ssettag $0x1  }
0x1: {  	s0 =	srdreg.scid  }
0x2: {  	s1 =	sshll.u32 s0, $0x4  }
0x3: {  	s4 =	rddreg [dreg:$0x0];
	s0 =	stileid.u32;
	s1 =	sand.u32 $0x10, s1  }
0x4: {  	s7 =	simm.s32 $0x1;
	s8 =	simm.s32 $0x2;
	s1 =	sor.u32 s0, s1  }
0x5: {  	s12 =	simm.s32 $0x0;
	s9 =	simm.s32 $0x624000;
	s2 =	sshll.u32 s1, $0x6  }
0x6: {  	s11 =	simm.s32 $0x0;
	s3 =	sadd.s32 $0x2000, s4;
	s6 =	ssub.s32 $0xC480, s2  }
.Ltmp0:
0x7: {  	s4 =	sadd.s32 $0x18B000, s4;
	s5 =	sand.u32 $0x7C0, s6;
	(pc) =	sbr.rel .LBB1_1-.Ltmp0, $4  }
0x8: {  	s1 =	rddreg [dreg:$0x1];
	_ =	strace $0x80000047;
	p0 =	sne.s32 s5, $0x0  }
0x9: {  	s6 =	sshrl.u32 s6, $0xB;
	s5 =	simm.s32 $0x1;
	s7 =	simm.s32 @!p0 $0x0  }
0xa: {  	s10 =	smov.u32 s2;
	[sflag:s5] =	ssyncpa.u1 $0x0;
	s6 =	sadd.s32 s7, s6  }
0xb: {  	[sflag:s8] =	ssyncpa.u1 $0x0;
	s8 =	simm.s32 $0x2000;
	s7 =	sadd.s32 $0x1, s6  }
.LBB1_7:
0xc: {  	s14 =	sadd.s32 $0x800, s10  }
0xd: {  	p1 =	sgt.s32 s14, $0xC47F  }
0xe: {  	s14 =	smov.u32 @p1 s2;
	p1 =	sne.s32 s11, s7  }
.Ltmp1:
0xf: {  	p0 =	slt.u32 s11, $0x2;
	(pc) =	sbr.rel @!p1 .LBB1_8-.Ltmp1, $4  }
0x10: {  	s13 =	simm.s32 @!p0 $0x2  }
0x11: {  	_ =	swait.ge @!p0 [sflag:s13], $0x4000  }
0x12: {  	s15 =	sadd.s32 $0x1, s11;
	s12 =	smov.u32 s10;
	[sflag:s13] =	ssyncset.done @!p0 $0x0  }
0x13: {  	s11 =	smov.u32 s15;
	s10 =	smov.u32 s14;
	[sflag:s13] =	ssyncadd.s32 @!p0 $0xFFFFC000  }
.LBB1_1:
0x14: {  	p0 =	sge.u32 s11, s6  }
0x15: {  	s13 =	sxor.u32 @!p0 $0xFFFFFFFF, s11  }
0x16: {  	s31 =	sadd.s32 $0xFFFFFFFF, s11;
	s14 =	sshll.u32 @!p0 s10, $0x5;
	s13 =	sshll.u32 @!p0 s13, $0xE  }
0x17: {  	s15 =	simm.s32 @!p0 $0x0;
	s14 =	sadd.s32 @!p0 s3, s14;
	s13 =	sand.u32 @!p0 $0x4000, s13  }
0x18: {  	[tilespmem:s13], [sflag:$0x1] =	stream.linear.gather @!p0 [hbm4b:s14+s15], $0x4000, $0x38;
	[tilespmem:$0x10000] =	vst v63  }
0x19: {  	p0 =	sge.u32 s31, s6  }
.Ltmp2:
0x1a: {  	_ = 	snop;
	(pc) =	sbr.rel @p0 .LBB1_7-.Ltmp2, $1  }
0x1b: {  	_ =	sdelay $0x3  }
0x1c: {  	_ =	swait.ge [sflag:s5], $0x4000;
	s13 =	sshll.u32 s11, $0xE  }
0x1d: {  	[sflag:s5] =	ssyncset.done $0x0;
	s14 =	sand.u32 $0x4000, s13  }
0x1e: {  	s15 =	simm.s32 $0x0;
	[sflag:s5] =	ssyncadd.s32 $0xFFFFC000;
	s13 =	sor.u32 $0x8000, s14  }
.LBB1_3:
0x1f: {  	s16 =	sshll.u32 s15, $0x8  }
0x20: {  	s16 =	sand.u32 $0x3FFFFF00, s16  }
0x21: {  	s17 =	sshll.u32 s15, $0x7;
	s16 =	sadd.s32 s16, s14  }
0x22: {  	s17 =	sand.u32 $0x3FFFFF80, s17;
	v0 =	vmov s16  }
0x23: {  	s17 =	sadd.s32 s17, s13  }
0x24: {  	p0 =	por $0x1, $0x1;
	v1 =	vmov s17;
	s16 =	simm.s32 $0x0  }
.LBB1_4:
0x25: {  	s17 =	sshll.u32 s16, $0x7  }
0x26: {  	s17 =	sand.u32 $0x3FFFFF80, s17  }
0x27: {  	v2 =	vld.idx.msk [tilespmem:v0+s17+$0x0 ss:$0x1], $0xffff  }
0x28: {  	v3 =	vld.idx.msk [tilespmem:v0+s17+$0x10 ss:$0x1], $0xffff  }
0x29: {  	v4 =	vld.idx.msk [tilespmem:v0+s17+$0x20 ss:$0x1], $0xffff  }
0x2a: {  	s31 =	sshll.u32 s16, $0xD;
	v5 =	vld.idx.msk [tilespmem:v0+s17+$0x30 ss:$0x1], $0xffff  }
0x2b: {  	s16 =	sand.u32 $0x3FFFE000, s31;
	v6 =	vld.idx.msk [tilespmem:v0+s17+$0x40 ss:$0x1], $0xffff  }
0x2c: {  	v63 =	vld.idx.msk [tilespmem:v0+s17+$0x70 ss:$0x1], $0xffff;
	[tilespmem:v1+s16+$0x0 ss:$0x1] =	vst.idx.msk $0xffff, v2  }
0x2d: {  	v2 =	vld.idx.msk [tilespmem:v0+s17+$0x50 ss:$0x1], $0xffff;
	[tilespmem:v1+s16+$0x10 ss:$0x1] =	vst.idx.msk $0xffff, v3  }
0x2e: {  	p1 =	por p0, p0;
	v3 =	vld.idx.msk [tilespmem:v0+s17+$0x60 ss:$0x1], $0xffff;
	[tilespmem:v1+s16+$0x20 ss:$0x1] =	vst.idx.msk $0xffff, v4  }
.Ltmp3:
0x2f: {  	[tilespmem:v1+s16+$0x30 ss:$0x1] =	vst.idx.msk $0xffff, v5;
	(pc) =	sbr.rel @p1 .LBB1_4-.Ltmp3, $4  }
0x30: {  	[tilespmem:v1+s16+$0x40 ss:$0x1] =	vst.idx.msk $0xffff, v6  }
0x31: {  	[tilespmem:v1+s16+$0x70 ss:$0x1] =	vst.idx.msk $0xffff, v63  }
0x32: {  	[tilespmem:v1+s16+$0x50 ss:$0x1] =	vst.idx.msk $0xffff, v2  }
0x33: {  	p0 =	por $0x0, $0x0;
	[tilespmem:v1+s16+$0x60 ss:$0x1] =	vst.idx.msk $0xffff, v3;
	s16 =	simm.s32 $0x1  }
0x34: {  	s15 =	sadd.s32 $0x1, s15  }
0x35: {  	p0 =	sne.s32 s15, $0x40  }
.Ltmp4:
0x36: {  	_ = 	snop;
	(pc) =	sbr.rel @p0 .LBB1_3-.Ltmp4, $1  }
0x37: {  	_ =	sdelay $0x3  }
0x38: {  	s12 =	sand.u32 $0x1FFFFFF, s12  }
0x39: {  	s14 =	smulhi.u32 $0x53610F, s12;
	_ =	sdelay $0x1  }
0x3a: {  	s14 =	sshrl.u32 s14, $0x6  }
0x3b: {  	s14 =	smul.u32 $0xC480, s14  }
.Ltmp5:
0x3c: {  	_ = 	snop;
	(pc) =	sbr.rel .LBB1_7-.Ltmp5, $4  }
0x3d: {  	s12 =	ssub.s32 s12, s14  }
0x3e: {  	s12 =	sshll.u32 s12, $0x4  }
0x3f: {  	s12 =	sadd.s32 s4, s12  }
0x40: {  	[hbm4b:s12+s8] =	stream.strided.scatter [tilespmem:s13], [sflag:$0x2], $0x4000, s9, s8, $0x38;
	[tilespmem:$0x10000] =	vst v63  }
.LBB1_8:
0x41: {  	_ =	sfence.sel $0x180000  }
0x42: {  	s2 =	simm.s32 $0x1;
	[bflag:$0x0] =	sbarrier.arrive $0xFFFF  }
0x43: {  	s31 =	simm.s32 $0x2;
	[sflag:s2] =	ssyncpa.u1 $0x1  }
0x44: {  	[sflag:s31] =	ssyncpa.u1 $0x1  }
0x45: {  	p0 =	sne.s32 s0, $0x0;
	_ =	strace $0x90000047  }
0x46: {  	s0 =	sadd.s32 @!p0 $0x100000, s1;
	[bflag:$0x2] =	sbarrier.arrive $0xFFFF  }
0x47: {  	[sflag:s0] =	ssyncadd.tile.s32 @!p0 $0x1;
	_ =	shalt  }
.Lfunc_end1:
_tile_overlayer_lowered:
.L_overlay_start_2:
0x48: {  	(tag) =	ssettag $0x2  }
0x49: {  	s0 =	rddreg [dreg:$0x0];
	s2 =	stileid.u32  }
0x4a: {  	s1 =	rddreg [dreg:$0x1];
	p0 =	sne.s32 s2, $0x0  }
0x4b: {  	s3 =	rddreg [dreg:$0x2];
	[bflag:$0x3] =	sbarrier.arrive $0xFFFF;
	s2 =	simm.s32 @!p0 $0x1C01  }
0x4c: {  	[timem:s3], [sflag:s2] =	dma.local @!p0 [hbm:s0], s1  }
0x4d: {  	s0 =	simm.s32 @!p0 $0x1  }
0x4e: {  	_ =	swait.ge @!p0 [sflag:s0], s1  }
0x4f: {  	s1 =	ssub.s32 @!p0 $0x0, s1;
	[sflag:s0] =	ssyncset.done @!p0 $0x0  }
0x50: {  	[sflag:s0] =	ssyncadd.s32 @!p0 s1  }
0x51: {  	[bflag:$0x3] =	sbarrier.arrive $0xFFFF  }
0x52: {  	_ =	shalt  }

</sc_bundles>
